<compile_context>
chip_gen: v7x
topology: tpu7x:2x2x1
jax: 0.10.2.dev20260603
libtpu: 0.0.44.dev20260713+nightly
codegen_flags: <defaults>
</compile_context>

<pallas_src>
import jax
import jax.numpy as jnp
from jax import lax
from jax.experimental import pallas as pl
from jax.experimental.pallas import tpu as pltpu
from jax.experimental.pallas import tpu_sc as plsc

N_NODES = 100000
N_EDGES = 6400000
NC = 2
NS = 16
L = 16

CHUNK = 6400
N_CH = N_EDGES // CHUNK
CHUNK_P = 5120
N_CH_P = N_EDGES // CHUNK_P
T_SCORE = 12
T_PN = NC * NS - T_SCORE


def _pipeline(n_r, base_of, start_in, wait_in, compute, start_out, wait_out):
    start_in(0, 0)
    n_half = (n_r + 1) // 2

    def it(h, carry):
        i0 = 2 * h
        i1 = i0 + 1

        @pl.when(i1 < n_r)
        def _():
            start_in(1, i1)

        wait_in(0)

        @pl.when(i0 >= 2)
        def _():
            wait_out(0)

        compute(0, base_of(i0))
        start_out(0, i0)

        @pl.when(i0 + 2 < n_r)
        def _():
            start_in(0, i0 + 2)

        @pl.when(i1 < n_r)
        def _():
            wait_in(1)

            @pl.when(i1 >= 2)
            def _():
                wait_out(1)

            compute(1, base_of(i1))
            start_out(1, i1)

        return carry

    lax.fori_loop(0, n_half, it, 0)
    wait_out(0)

    @pl.when(n_r >= 2)
    def _():
        wait_out(1)


def _body(scores_hbm, pn_hbm, edges_hbm, score_out, mask_out, table_v):
    c = lax.axis_index("c")
    s = lax.axis_index("s")
    wid = s * NC + c
    is_score = wid < T_SCORE

    @pl.when(is_score)
    def _():
        r = wid
        n_r = (N_CH - r - 1) // T_SCORE + 1

        def base_of(i):
            return (r + i * T_SCORE) * CHUNK

        def scoped(idx, out, tsem, si, so):
            tcopy = pltpu.async_copy(scores_hbm, table_v, tsem)

            def start_in(sl, i):
                pltpu.async_copy(edges_hbm.at[pl.ds(base_of(i), CHUNK)],
                                 idx[sl], si[sl])

            def wait_in(sl):
                pltpu.make_async_copy(edges_hbm.at[pl.ds(0, CHUNK)],
                                      idx[sl], si[sl]).wait()

            def compute(sl, _base):
                idx_v, out_v = idx[sl], out[sl]

                @plsc.parallel_loop(0, CHUNK, step=L, unroll=8)
                def _grp(off):
                    sl2 = pl.ds(off, L)
                    vals = plsc.load_gather(table_v, [idx_v[sl2]])
                    out_v[sl2] = plsc.bitcast(vals, jnp.float32)

            def start_out(sl, i):
                pltpu.async_copy(out[sl],
                                 score_out.at[pl.ds(base_of(i), CHUNK)], so[sl])

            def wait_out(sl):
                pltpu.make_async_copy(out[sl],
                                      score_out.at[pl.ds(0, CHUNK)],
                                      so[sl]).wait()

            tcopy.wait()
            _pipeline(n_r, base_of, start_in, wait_in, compute, start_out,
                      wait_out)

        pl.run_scoped(
            lambda i0, i1, o0, o1, tsem, si0, si1, so0, so1: scoped(
                (i0, i1), (o0, o1), tsem, (si0, si1), (so0, so1)),
            pltpu.VMEM((CHUNK,), jnp.int32), pltpu.VMEM((CHUNK,), jnp.int32),
            pltpu.VMEM((CHUNK,), jnp.float32), pltpu.VMEM((CHUNK,), jnp.float32),
            pltpu.SemaphoreType.DMA, pltpu.SemaphoreType.DMA,
            pltpu.SemaphoreType.DMA, pltpu.SemaphoreType.DMA,
            pltpu.SemaphoreType.DMA)

    @pl.when(jnp.logical_not(is_score))
    def _():
        r = wid - T_SCORE
        n_r = (N_CH_P - r - 1) // T_PN + 1

        def base_of(i):
            return (r + i * T_PN) * CHUNK_P

        def scoped(idx_a, idx_b, out, tsem, si, so):
            tcopy = pltpu.async_copy(pn_hbm, table_v, tsem)

            def start_in(sl, i):
                pltpu.async_copy(edges_hbm.at[pl.ds(base_of(i), CHUNK_P)],
                                 idx_a[sl], si[sl])
                pltpu.async_copy(
                    edges_hbm.at[pl.ds(N_EDGES + base_of(i), CHUNK_P)],
                    idx_b[sl], si[sl])

            def wait_in(sl):
                pltpu.make_async_copy(edges_hbm.at[pl.ds(0, CHUNK_P)],
                                      idx_a[sl], si[sl]).wait()
                pltpu.make_async_copy(edges_hbm.at[pl.ds(0, CHUNK_P)],
                                      idx_b[sl], si[sl]).wait()

            def compute(sl, _base):
                ia_v, ib_v, out_v = idx_a[sl], idx_b[sl], out[sl]

                @plsc.parallel_loop(0, CHUNK_P, step=L, unroll=8)
                def _grp(off):
                    sl2 = pl.ds(off, L)
                    va = plsc.load_gather(table_v, [ia_v[sl2]])
                    vb = plsc.load_gather(table_v, [ib_v[sl2]])
                    out_v[sl2] = (va == vb).astype(jnp.int32)

            def start_out(sl, i):
                pltpu.async_copy(out[sl],
                                 mask_out.at[pl.ds(base_of(i), CHUNK_P)], so[sl])

            def wait_out(sl):
                pltpu.make_async_copy(out[sl],
                                      mask_out.at[pl.ds(0, CHUNK_P)],
                                      so[sl]).wait()

            tcopy.wait()
            _pipeline(n_r, base_of, start_in, wait_in, compute, start_out,
                      wait_out)

        pl.run_scoped(
            lambda a0, a1, b0, b1, o0, o1, tsem, si0, si1, so0, so1: scoped(
                (a0, a1), (b0, b1), (o0, o1), tsem, (si0, si1), (so0, so1)),
            pltpu.VMEM((CHUNK_P,), jnp.int32), pltpu.VMEM((CHUNK_P,), jnp.int32),
            pltpu.VMEM((CHUNK_P,), jnp.int32), pltpu.VMEM((CHUNK_P,), jnp.int32),
            pltpu.VMEM((CHUNK_P,), jnp.int32), pltpu.VMEM((CHUNK_P,), jnp.int32),
            pltpu.SemaphoreType.DMA, pltpu.SemaphoreType.DMA,
            pltpu.SemaphoreType.DMA, pltpu.SemaphoreType.DMA,
            pltpu.SemaphoreType.DMA)


_sc_call = pl.kernel(
    _body,
    out_type=[
        jax.ShapeDtypeStruct((N_EDGES,), jnp.float32),
        jax.ShapeDtypeStruct((N_EDGES,), jnp.int32),
    ],
    mesh=plsc.VectorSubcoreMesh(core_axis_name="c", subcore_axis_name="s",
                                num_cores=NC, num_subcores=NS),
    scratch_types=[
        pltpu.VMEM((N_NODES,), jnp.int32),
    ],
    compiler_params=pltpu.CompilerParams(needs_layout_passes=False),
)


def kernel(scores, particle_number, edge_index):
    scores_i32 = lax.bitcast_convert_type(scores.reshape(-1), jnp.int32)
    pn_i32 = particle_number.astype(jnp.int32)
    score_neigh, mask_i32 = _sc_call(scores_i32, pn_i32, edge_index.reshape(-1))
    return score_neigh, mask_i32.astype(jnp.bool_)

# --- scband reference (transcript-rebuilt; emitter-appended) ---
"""Pipeline reference for scband-send-scores-message-50766513438996 (READ-ONLY COPY).

The authoritative reference and input builder live on the scoring server;
editing this copy changes nothing except your own understanding.
"""

import jax, jax.numpy as jnp
import numpy as np

N_NODES = 100000
N_EDGES = 6400000

def setup_inputs(seed: int = 0) -> dict:
    key = jax.random.key(seed)
    k1, k2, k3 = jax.random.split(key, 3)
    scores = jax.random.normal(k1, (N_NODES, 1), dtype=jnp.float32)
    particle_number = jax.random.randint(k2, (N_NODES,), 0, 5000, dtype=jnp.int64) if jax.config.jax_enable_x64 else jax.random.randint(k2, (N_NODES,), 0, 5000).astype(jnp.int32)
    edge_index = jax.random.randint(k3, (2, N_EDGES), 0, N_NODES).astype(jnp.int32)
    return {"scores": scores, "particle_number": particle_number, "edge_index": edge_index}

def reference(scores, particle_number, edge_index):
    # DGL message function semantics: per-edge gather from src/dst nodes.
    src = edge_index[0]
    dst = edge_index[1]
    # edges.src['scores'] -> gather node scores at source endpoints
    score_neigh = jnp.take(scores, src, axis=0).reshape(-1)
    # edges.dst['particle_number'] == edges.src['particle_number']
    same_object = jnp.take(particle_number, dst, axis=0) == jnp.take(particle_number, src, axis=0)
    return score_neigh, same_object

if __name__ == "__main__":
    import jax
    _d = setup_inputs()
    print(jax.jit(kernel)(*tuple(_d.values())))

</pallas_src>

<mosaic_0001>
#map = affine_map<(d0, d1) -> (0)>
module attributes {stable_mosaic.version = 14 : i64} {
  func.func @_body(%arg0: i32, %arg1: i32, %arg2: memref<100000xi32, #tpu.memory_space<hbm>>, %arg3: memref<100000xi32, #tpu.memory_space<hbm>>, %arg4: memref<12800000xi32, #tpu.memory_space<hbm>>, %arg5: memref<6400000xf32, #tpu.memory_space<hbm>>, %arg6: memref<6400000xi32, #tpu.memory_space<hbm>>, %arg7: memref<100000xi32, #tpu.memory_space<vmem>>) attributes {dimension_semantics = [#tpu.dimension_semantics<core_parallel>, #tpu.dimension_semantics<subcore_parallel>], iteration_bounds = array<i64: 2, 16>, scalar_prefetch = 0 : i64, scratch_operands = 1 : i64, tpu.core_type = #tpu.core_type<sc_vector_subcore>, window_params = [{transform_indices = #map}, {transform_indices = #map}, {transform_indices = #map}, {transform_indices = #map}, {transform_indices = #map}]} {
    %mul3A = arith.constant 2 : i32
    %mul3A_0 = arith.muli %arg1, %mul3A : i32
    %add3A = arith.addi %mul3A_0, %arg0 : i32
    %lt3A = arith.constant 12 : i32
    %lt3A_1 = arith.cmpi slt, %add3A, %lt3A : i32
    %convert_element_type3A = arith.extui %lt3A_1 : i1 to i32
    %cond3A = arith.constant 0 : i32
    %cond3A_2 = arith.cmpi ne, %convert_element_type3A, %cond3A : i32
    scf.if %cond3A_2 {
      %sub3A = arith.constant 1000 : i32
      %sub3A_7 = arith.subi %sub3A, %add3A : i32
      %sub3A_8 = arith.constant 1 : i32
      %sub3A_9 = arith.subi %sub3A_7, %sub3A_8 : i32
      %jit3A = arith.constant 12 : i32
      %div3A = arith.divsi %sub3A_9, %jit3A : i32
      %sign3A = arith.constant 0 : i32
      %sign3A_10 = arith.cmpi sgt, %sub3A_9, %sign3A : i32
      %sign3A_11 = arith.extui %sign3A_10 : i1 to i32
      %sign3A_12 = arith.constant 0 : i32
      %sign3A_13 = arith.cmpi slt, %sub3A_9, %sign3A_12 : i32
      %sign3A_14 = arith.extui %sign3A_13 : i1 to i32
      %sign3A_15 = arith.subi %sign3A_11, %sign3A_14 : i32
      %sign3A_16 = arith.constant 0 : i32
      %sign3A_17 = arith.cmpi sgt, %jit3A, %sign3A_16 : i32
      %sign3A_18 = arith.extui %sign3A_17 : i1 to i32
      %sign3A_19 = arith.constant 0 : i32
      %sign3A_20 = arith.cmpi slt, %jit3A, %sign3A_19 : i32
      %sign3A_21 = arith.extui %sign3A_20 : i1 to i32
      %sign3A_22 = arith.subi %sign3A_18, %sign3A_21 : i32
      %ne3A = arith.cmpi ne, %sign3A_15, %sign3A_22 : i32
      %rem3A = arith.remsi %sub3A_9, %jit3A : i32
      %ne3A_23 = arith.constant 0 : i32
      %ne3A_24 = arith.cmpi ne, %rem3A, %ne3A_23 : i32
      %and3A = arith.andi %ne3A, %ne3A_24 : i1
      %sub3A_25 = arith.constant 1 : i32
      %sub3A_26 = arith.subi %div3A, %sub3A_25 : i32
      %select_n3A = arith.select %and3A, %sub3A_26, %div3A : i32
      %add3A_27 = arith.constant 1 : i32
      %add3A_28 = arith.addi %select_n3A, %add3A_27 : i32
      "tpu.region"() ({
        %run_scoped3A = memref.alloca() : memref<6400xi32, #tpu.memory_space<vmem>>
        %run_scoped3A_29 = memref.alloca() : memref<6400xi32, #tpu.memory_space<vmem>>
        %run_scoped3A_30 = memref.alloca() : memref<6400xf32, #tpu.memory_space<vmem>>
        %run_scoped3A_31 = memref.alloca() : memref<6400xf32, #tpu.memory_space<vmem>>
        %run_scoped3A_32 = tpu.sem_alloc : memref<!tpu.dma_semaphore, #tpu.memory_space<semaphore_mem>>
        %run_scoped3A_33 = tpu.sem_alloc : memref<!tpu.dma_semaphore, #tpu.memory_space<semaphore_mem>>
        %run_scoped3A_34 = tpu.sem_alloc : memref<!tpu.dma_semaphore, #tpu.memory_space<semaphore_mem>>
        %run_scoped3A_35 = tpu.sem_alloc : memref<!tpu.dma_semaphore, #tpu.memory_space<semaphore_mem>>
        %run_scoped3A_36 = tpu.sem_alloc : memref<!tpu.dma_semaphore, #tpu.memory_space<semaphore_mem>>
        tpu.enqueue_dma source(%arg2 : memref<100000xi32, #tpu.memory_space<hbm>>) target(%arg7 : memref<100000xi32, #tpu.memory_space<vmem>>) target_semaphore(%run_scoped3A_32 : memref<!tpu.dma_semaphore, #tpu.memory_space<semaphore_mem>>)
        tpu.wait_dma2 semaphore(%run_scoped3A_32 : memref<!tpu.dma_semaphore, #tpu.memory_space<semaphore_mem>>) src(%arg2 : memref<100000xi32, #tpu.memory_space<hbm>>) dst(%arg7 : memref<100000xi32, #tpu.memory_space<vmem>>)
        %add3A_37 = arith.constant 0 : i32
        %add3A_38 = arith.addi %add3A, %add3A_37 : i32
        %mul3A_39 = arith.constant 6400 : i32
        %mul3A_40 = arith.muli %add3A_38, %mul3A_39 : i32
        %dma_start3A = tpu.memref_slice %arg4[%mul3A_40] : memref<12800000xi32, #tpu.memory_space<hbm>> -> memref<6400xi32, #tpu.memory_space<hbm>>
        %dma_start3A_41 = tpu.memref_slice %arg4[%mul3A_40] : memref<12800000xi32, #tpu.memory_space<hbm>> -> memref<6400xi32, #tpu.memory_space<hbm>>
        tpu.enqueue_dma source(%dma_start3A_41 : memref<6400xi32, #tpu.memory_space<hbm>>) target(%run_scoped3A : memref<6400xi32, #tpu.memory_space<vmem>>) target_semaphore(%run_scoped3A_33 : memref<!tpu.dma_semaphore, #tpu.memory_space<semaphore_mem>>)
        %add3A_42 = arith.constant 1 : i32
        %add3A_43 = arith.addi %add3A_28, %add3A_42 : i32
        %jit3A_44 = arith.constant 2 : i32
        %div3A_45 = arith.divsi %add3A_43, %jit3A_44 : i32
        %sign3A_46 = arith.constant 0 : i32
        %sign3A_47 = arith.cmpi sgt, %add3A_43, %sign3A_46 : i32
        %sign3A_48 = arith.extui %sign3A_47 : i1 to i32
        %sign3A_49 = arith.constant 0 : i32
        %sign3A_50 = arith.cmpi slt, %add3A_43, %sign3A_49 : i32
        %sign3A_51 = arith.extui %sign3A_50 : i1 to i32
        %sign3A_52 = arith.subi %sign3A_48, %sign3A_51 : i32
        %sign3A_53 = arith.constant 0 : i32
        %sign3A_54 = arith.cmpi sgt, %jit3A_44, %sign3A_53 : i32
        %sign3A_55 = arith.extui %sign3A_54 : i1 to i32
        %sign3A_56 = arith.constant 0 : i32
        %sign3A_57 = arith.cmpi slt, %jit3A_44, %sign3A_56 : i32
        %sign3A_58 = arith.extui %sign3A_57 : i1 to i32
        %sign3A_59 = arith.subi %sign3A_55, %sign3A_58 : i32
        %ne3A_60 = arith.cmpi ne, %sign3A_52, %sign3A_59 : i32
        %rem3A_61 = arith.remsi %add3A_43, %jit3A_44 : i32
        %ne3A_62 = arith.constant 0 : i32
        %ne3A_63 = arith.cmpi ne, %rem3A_61, %ne3A_62 : i32
        %and3A_64 = arith.andi %ne3A_60, %ne3A_63 : i1
        %sub3A_65 = arith.constant 1 : i32
        %sub3A_66 = arith.subi %div3A_45, %sub3A_65 : i32
        %select_n3A_67 = arith.select %and3A_64, %sub3A_66, %div3A_45 : i32
        %while3A = arith.constant 0 : i32
        %while3A_68 = arith.constant 0 : i32
        %while3A_69 = arith.subi %select_n3A_67, %while3A_68 : i32
        %while3A_70 = arith.addi %while3A_68, %while3A_69 : i32
        %while3A_71 = arith.constant 1 : i32
        %while3A_72 = arith.divsi %while3A_69, %while3A_71 : i32
        %while3A_73 = arith.muli %while3A_72, %while3A_71 : i32
        %while3A_74 = arith.addi %while3A_68, %while3A_73 : i32
        %while3A_75 = arith.constant 1 : i32
        scf.for %while3A_84 = %while3A_68 to %while3A_74 step %while3A_75  : i32 {
          %mul3A_85 = arith.constant 2 : i32
          %mul3A_86 = arith.muli %mul3A_85, %while3A_84 : i32
          %add3A_87 = arith.constant 1 : i32
          %add3A_88 = arith.addi %mul3A_86, %add3A_87 : i32
          %lt3A_89 = arith.cmpi slt, %add3A_88, %add3A_28 : i32
          %convert_element_type3A_90 = arith.extui %lt3A_89 : i1 to i32
          %cond3A_91 = arith.constant 0 : i32
          %cond3A_92 = arith.cmpi ne, %convert_element_type3A_90, %cond3A_91 : i32
          scf.if %cond3A_92 {
            %mul3A_126 = arith.constant 12 : i32
            %mul3A_127 = arith.muli %add3A_88, %mul3A_126 : i32
            %add3A_128 = arith.addi %add3A, %mul3A_127 : i32
            %mul3A_129 = arith.constant 6400 : i32
            %mul3A_130 = arith.muli %add3A_128, %mul3A_129 : i32
            %dma_start3A_131 = tpu.memref_slice %arg4[%mul3A_130] : memref<12800000xi32, #tpu.memory_space<hbm>> -> memref<6400xi32, #tpu.memory_space<hbm>>
            %dma_start3A_132 = tpu.memref_slice %arg4[%mul3A_130] : memref<12800000xi32, #tpu.memory_space<hbm>> -> memref<6400xi32, #tpu.memory_space<hbm>>
            tpu.enqueue_dma source(%dma_start3A_132 : memref<6400xi32, #tpu.memory_space<hbm>>) target(%run_scoped3A_29 : memref<6400xi32, #tpu.memory_space<vmem>>) target_semaphore(%run_scoped3A_34 : memref<!tpu.dma_semaphore, #tpu.memory_space<semaphore_mem>>)
          } else {
          }
          %dma_wait3A_93 = arith.constant 0 : i32
          %dma_wait3A_94 = tpu.memref_slice %arg4[%dma_wait3A_93] : memref<12800000xi32, #tpu.memory_space<hbm>> -> memref<6400xi32, #tpu.memory_space<hbm>>
          %dma_wait3A_95 = arith.constant 0 : i32
          %dma_wait3A_96 = tpu.memref_slice %arg4[%dma_wait3A_95] : memref<12800000xi32, #tpu.memory_space<hbm>> -> memref<6400xi32, #tpu.memory_space<hbm>>
          tpu.wait_dma2 semaphore(%run_scoped3A_33 : memref<!tpu.dma_semaphore, #tpu.memory_space<semaphore_mem>>) src(%dma_wait3A_96 : memref<6400xi32, #tpu.memory_space<hbm>>) dst(%run_scoped3A : memref<6400xi32, #tpu.memory_space<vmem>>)
          %ge3A_97 = arith.constant 2 : i32
          %ge3A_98 = arith.cmpi sge, %mul3A_86, %ge3A_97 : i32
          %convert_element_type3A_99 = arith.extui %ge3A_98 : i1 to i32
          %cond3A_100 = arith.constant 0 : i32
          %cond3A_101 = arith.cmpi ne, %convert_element_type3A_99, %cond3A_100 : i32
          scf.if %cond3A_101 {
            %dma_wait3A_126 = arith.constant 0 : i32
            %dma_wait3A_127 = tpu.memref_slice %arg5[%dma_wait3A_126] : memref<6400000xf32, #tpu.memory_space<hbm>> -> memref<6400xf32, #tpu.memory_space<hbm>>
            %dma_wait3A_128 = arith.constant 0 : i32
            %dma_wait3A_129 = tpu.memref_slice %arg5[%dma_wait3A_128] : memref<6400000xf32, #tpu.memory_space<hbm>> -> memref<6400xf32, #tpu.memory_space<hbm>>
            tpu.wait_dma2 semaphore(%run_scoped3A_35 : memref<!tpu.dma_semaphore, #tpu.memory_space<semaphore_mem>>) src(%run_scoped3A_30 : memref<6400xf32, #tpu.memory_space<vmem>>) dst(%dma_wait3A_129 : memref<6400xf32, #tpu.memory_space<hbm>>)
          } else {
          }
          %mul3A_102 = arith.constant 12 : i32
          %mul3A_103 = arith.muli %mul3A_86, %mul3A_102 : i32
          %add3A_104 = arith.addi %add3A, %mul3A_103 : i32
          %mul3A_105 = arith.constant 6400 : i32
          %mul3A_106 = arith.muli %add3A_104, %mul3A_105 : i32
          %parallel_loop3A = arith.constant 0 : i32
          %parallel_loop3A_107 = arith.constant 6400 : i32
          %parallel_loop3A_108 = arith.constant 16 : i32
          scf.for %parallel_loop3A_126 = %parallel_loop3A to %parallel_loop3A_107 step %parallel_loop3A_108  : i32 {
            %parallel_loop3A_127 = arith.index_cast %parallel_loop3A_126 : i32 to index
            %parallel_loop3A_128 = tpu.vector_load %run_scoped3A[%parallel_loop3A_127] {strides = array<i32>} : memref<6400xi32, #tpu.memory_space<vmem>>, vector<16xi32>,
            %parallel_loop3A_129 = tpu.vector_load_idx %arg7[%parallel_loop3A_128] : memref<100000xi32, #tpu.memory_space<vmem>>[vector<16xi32>], vector<16xi32>,
            %parallel_loop3A_130 = vector.bitcast %parallel_loop3A_129 : vector<16xi32> to vector<16xf32>
            %parallel_loop3A_131 = arith.index_cast %parallel_loop3A_126 : i32 to index
            %parallel_loop3A_132 = tpu.vector_load %run_scoped3A_30[%parallel_loop3A_131] {strides = array<i32>} : memref<6400xf32, #tpu.memory_space<vmem>>, vector<16xf32>,
            tpu.vector_store %run_scoped3A_30[%parallel_loop3A_131], %parallel_loop3A_130 {strides = array<i32>} : memref<6400xf32, #tpu.memory_space<vmem>>, vector<16xf32>,
          } {sc.loop_unroll_factor = 8 : i64, sc.parallel_access}
          %mul3A_109 = arith.constant 12 : i32
          %mul3A_110 = arith.muli %mul3A_86, %mul3A_109 : i32
          %add3A_111 = arith.addi %add3A, %mul3A_110 : i32
          %mul3A_112 = arith.constant 6400 : i32
          %mul3A_113 = arith.muli %add3A_111, %mul3A_112 : i32
          %dma_start3A_114 = tpu.memref_slice %arg5[%mul3A_113] : memref<6400000xf32, #tpu.memory_space<hbm>> -> memref<6400xf32, #tpu.memory_space<hbm>>
          %dma_start3A_115 = tpu.memref_slice %arg5[%mul3A_113] : memref<6400000xf32, #tpu.memory_space<hbm>> -> memref<6400xf32, #tpu.memory_space<hbm>>
          tpu.enqueue_dma source(%run_scoped3A_30 : memref<6400xf32, #tpu.memory_space<vmem>>) target(%dma_start3A_115 : memref<6400xf32, #tpu.memory_space<hbm>>) target_semaphore(%run_scoped3A_35 : memref<!tpu.dma_semaphore, #tpu.memory_space<semaphore_mem>>)
          %add3A_116 = arith.constant 2 : i32
          %add3A_117 = arith.addi %mul3A_86, %add3A_116 : i32
          %lt3A_118 = arith.cmpi slt, %add3A_117, %add3A_28 : i32
          %convert_element_type3A_119 = arith.extui %lt3A_118 : i1 to i32
          %cond3A_120 = arith.constant 0 : i32
          %cond3A_121 = arith.cmpi ne, %convert_element_type3A_119, %cond3A_120 : i32
          scf.if %cond3A_121 {
            %add3A_126 = arith.constant 2 : i32
            %add3A_127 = arith.addi %mul3A_86, %add3A_126 : i32
            %mul3A_128 = arith.constant 12 : i32
            %mul3A_129 = arith.muli %add3A_127, %mul3A_128 : i32
            %add3A_130 = arith.addi %add3A, %mul3A_129 : i32
            %mul3A_131 = arith.constant 6400 : i32
            %mul3A_132 = arith.muli %add3A_130, %mul3A_131 : i32
            %dma_start3A_133 = tpu.memref_slice %arg4[%mul3A_132] : memref<12800000xi32, #tpu.memory_space<hbm>> -> memref<6400xi32, #tpu.memory_space<hbm>>
            %dma_start3A_134 = tpu.memref_slice %arg4[%mul3A_132] : memref<12800000xi32, #tpu.memory_space<hbm>> -> memref<6400xi32, #tpu.memory_space<hbm>>
            tpu.enqueue_dma source(%dma_start3A_134 : memref<6400xi32, #tpu.memory_space<hbm>>) target(%run_scoped3A : memref<6400xi32, #tpu.memory_space<vmem>>) target_semaphore(%run_scoped3A_33 : memref<!tpu.dma_semaphore, #tpu.memory_space<semaphore_mem>>)
          } else {
          }
          %lt3A_122 = arith.cmpi slt, %add3A_88, %add3A_28 : i32
          %convert_element_type3A_123 = arith.extui %lt3A_122 : i1 to i32
          %cond3A_124 = arith.constant 0 : i32
          %cond3A_125 = arith.cmpi ne, %convert_element_type3A_123, %cond3A_124 : i32
          scf.if %cond3A_125 {
            %dma_wait3A_126 = arith.constant 0 : i32
            %dma_wait3A_127 = tpu.memref_slice %arg4[%dma_wait3A_126] : memref<12800000xi32, #tpu.memory_space<hbm>> -> memref<6400xi32, #tpu.memory_space<hbm>>
            %dma_wait3A_128 = arith.constant 0 : i32
            %dma_wait3A_129 = tpu.memref_slice %arg4[%dma_wait3A_128] : memref<12800000xi32, #tpu.memory_space<hbm>> -> memref<6400xi32, #tpu.memory_space<hbm>>
            tpu.wait_dma2 semaphore(%run_scoped3A_34 : memref<!tpu.dma_semaphore, #tpu.memory_space<semaphore_mem>>) src(%dma_wait3A_129 : memref<6400xi32, #tpu.memory_space<hbm>>) dst(%run_scoped3A_29 : memref<6400xi32, #tpu.memory_space<vmem>>)
            %ge3A_130 = arith.constant 2 : i32
            %ge3A_131 = arith.cmpi sge, %add3A_88, %ge3A_130 : i32
            %convert_element_type3A_132 = arith.extui %ge3A_131 : i1 to i32
            %cond3A_133 = arith.constant 0 : i32
            %cond3A_134 = arith.cmpi ne, %convert_element_type3A_132, %cond3A_133 : i32
            scf.if %cond3A_134 {
              %dma_wait3A_150 = arith.constant 0 : i32
              %dma_wait3A_151 = tpu.memref_slice %arg5[%dma_wait3A_150] : memref<6400000xf32, #tpu.memory_space<hbm>> -> memref<6400xf32, #tpu.memory_space<hbm>>
              %dma_wait3A_152 = arith.constant 0 : i32
              %dma_wait3A_153 = tpu.memref_slice %arg5[%dma_wait3A_152] : memref<6400000xf32, #tpu.memory_space<hbm>> -> memref<6400xf32, #tpu.memory_space<hbm>>
              tpu.wait_dma2 semaphore(%run_scoped3A_36 : memref<!tpu.dma_semaphore, #tpu.memory_space<semaphore_mem>>) src(%run_scoped3A_31 : memref<6400xf32, #tpu.memory_space<vmem>>) dst(%dma_wait3A_153 : memref<6400xf32, #tpu.memory_space<hbm>>)
            } else {
            }
            %mul3A_135 = arith.constant 12 : i32
            %mul3A_136 = arith.muli %add3A_88, %mul3A_135 : i32
            %add3A_137 = arith.addi %add3A, %mul3A_136 : i32
            %mul3A_138 = arith.constant 6400 : i32
            %mul3A_139 = arith.muli %add3A_137, %mul3A_138 : i32
            %parallel_loop3A_140 = arith.constant 0 : i32
            %parallel_loop3A_141 = arith.constant 6400 : i32
            %parallel_loop3A_142 = arith.constant 16 : i32
            scf.for %parallel_loop3A_150 = %parallel_loop3A_140 to %parallel_loop3A_141 step %parallel_loop3A_142  : i32 {
              %parallel_loop3A_151 = arith.index_cast %parallel_loop3A_150 : i32 to index
              %parallel_loop3A_152 = tpu.vector_load %run_scoped3A_29[%parallel_loop3A_151] {strides = array<i32>} : memref<6400xi32, #tpu.memory_space<vmem>>, vector<16xi32>,
              %parallel_loop3A_153 = tpu.vector_load_idx %arg7[%parallel_loop3A_152] : memref<100000xi32, #tpu.memory_space<vmem>>[vector<16xi32>], vector<16xi32>,
              %parallel_loop3A_154 = vector.bitcast %parallel_loop3A_153 : vector<16xi32> to vector<16xf32>
              %parallel_loop3A_155 = arith.index_cast %parallel_loop3A_150 : i32 to index
              %parallel_loop3A_156 = tpu.vector_load %run_scoped3A_31[%parallel_loop3A_155] {strides = array<i32>} : memref<6400xf32, #tpu.memory_space<vmem>>, vector<16xf32>,
              tpu.vector_store %run_scoped3A_31[%parallel_loop3A_155], %parallel_loop3A_154 {strides = array<i32>} : memref<6400xf32, #tpu.memory_space<vmem>>, vector<16xf32>,
            } {sc.loop_unroll_factor = 8 : i64, sc.parallel_access}
            %mul3A_143 = arith.constant 12 : i32
            %mul3A_144 = arith.muli %add3A_88, %mul3A_143 : i32
            %add3A_145 = arith.addi %add3A, %mul3A_144 : i32
            %mul3A_146 = arith.constant 6400 : i32
            %mul3A_147 = arith.muli %add3A_145, %mul3A_146 : i32
            %dma_start3A_148 = tpu.memref_slice %arg5[%mul3A_147] : memref<6400000xf32, #tpu.memory_space<hbm>> -> memref<6400xf32, #tpu.memory_space<hbm>>
            %dma_start3A_149 = tpu.memref_slice %arg5[%mul3A_147] : memref<6400000xf32, #tpu.memory_space<hbm>> -> memref<6400xf32, #tpu.memory_space<hbm>>
            tpu.enqueue_dma source(%run_scoped3A_31 : memref<6400xf32, #tpu.memory_space<vmem>>) target(%dma_start3A_149 : memref<6400xf32, #tpu.memory_space<hbm>>) target_semaphore(%run_scoped3A_36 : memref<!tpu.dma_semaphore, #tpu.memory_space<semaphore_mem>>)
          } else {
          }
        }
        %while3A_76 = arith.constant 1 : i32
        scf.for %while3A_84 = %while3A_74 to %while3A_70 step %while3A_76  : i32 {
          %mul3A_85 = arith.constant 2 : i32
          %mul3A_86 = arith.muli %mul3A_85, %while3A_84 : i32
          %add3A_87 = arith.constant 1 : i32
          %add3A_88 = arith.addi %mul3A_86, %add3A_87 : i32
          %lt3A_89 = arith.cmpi slt, %add3A_88, %add3A_28 : i32
          %convert_element_type3A_90 = arith.extui %lt3A_89 : i1 to i32
          %cond3A_91 = arith.constant 0 : i32
          %cond3A_92 = arith.cmpi ne, %convert_element_type3A_90, %cond3A_91 : i32
          scf.if %cond3A_92 {
            %mul3A_126 = arith.constant 12 : i32
            %mul3A_127 = arith.muli %add3A_88, %mul3A_126 : i32
            %add3A_128 = arith.addi %add3A, %mul3A_127 : i32
            %mul3A_129 = arith.constant 6400 : i32
            %mul3A_130 = arith.muli %add3A_128, %mul3A_129 : i32
            %dma_start3A_131 = tpu.memref_slice %arg4[%mul3A_130] : memref<12800000xi32, #tpu.memory_space<hbm>> -> memref<6400xi32, #tpu.memory_space<hbm>>
            %dma_start3A_132 = tpu.memref_slice %arg4[%mul3A_130] : memref<12800000xi32, #tpu.memory_space<hbm>> -> memref<6400xi32, #tpu.memory_space<hbm>>
            tpu.enqueue_dma source(%dma_start3A_132 : memref<6400xi32, #tpu.memory_space<hbm>>) target(%run_scoped3A_29 : memref<6400xi32, #tpu.memory_space<vmem>>) target_semaphore(%run_scoped3A_34 : memref<!tpu.dma_semaphore, #tpu.memory_space<semaphore_mem>>)
          } else {
          }
          %dma_wait3A_93 = arith.constant 0 : i32
          %dma_wait3A_94 = tpu.memref_slice %arg4[%dma_wait3A_93] : memref<12800000xi32, #tpu.memory_space<hbm>> -> memref<6400xi32, #tpu.memory_space<hbm>>
          %dma_wait3A_95 = arith.constant 0 : i32
          %dma_wait3A_96 = tpu.memref_slice %arg4[%dma_wait3A_95] : memref<12800000xi32, #tpu.memory_space<hbm>> -> memref<6400xi32, #tpu.memory_space<hbm>>
          tpu.wait_dma2 semaphore(%run_scoped3A_33 : memref<!tpu.dma_semaphore, #tpu.memory_space<semaphore_mem>>) src(%dma_wait3A_96 : memref<6400xi32, #tpu.memory_space<hbm>>) dst(%run_scoped3A : memref<6400xi32, #tpu.memory_space<vmem>>)
          %ge3A_97 = arith.constant 2 : i32
          %ge3A_98 = arith.cmpi sge, %mul3A_86, %ge3A_97 : i32
          %convert_element_type3A_99 = arith.extui %ge3A_98 : i1 to i32
          %cond3A_100 = arith.constant 0 : i32
          %cond3A_101 = arith.cmpi ne, %convert_element_type3A_99, %cond3A_100 : i32
          scf.if %cond3A_101 {
            %dma_wait3A_126 = arith.constant 0 : i32
            %dma_wait3A_127 = tpu.memref_slice %arg5[%dma_wait3A_126] : memref<6400000xf32, #tpu.memory_space<hbm>> -> memref<6400xf32, #tpu.memory_space<hbm>>
            %dma_wait3A_128 = arith.constant 0 : i32
            %dma_wait3A_129 = tpu.memref_slice %arg5[%dma_wait3A_128] : memref<6400000xf32, #tpu.memory_space<hbm>> -> memref<6400xf32, #tpu.memory_space<hbm>>
            tpu.wait_dma2 semaphore(%run_scoped3A_35 : memref<!tpu.dma_semaphore, #tpu.memory_space<semaphore_mem>>) src(%run_scoped3A_30 : memref<6400xf32, #tpu.memory_space<vmem>>) dst(%dma_wait3A_129 : memref<6400xf32, #tpu.memory_space<hbm>>)
          } else {
          }
          %mul3A_102 = arith.constant 12 : i32
          %mul3A_103 = arith.muli %mul3A_86, %mul3A_102 : i32
          %add3A_104 = arith.addi %add3A, %mul3A_103 : i32
          %mul3A_105 = arith.constant 6400 : i32
          %mul3A_106 = arith.muli %add3A_104, %mul3A_105 : i32
          %parallel_loop3A = arith.constant 0 : i32
          %parallel_loop3A_107 = arith.constant 6400 : i32
          %parallel_loop3A_108 = arith.constant 16 : i32
          scf.for %parallel_loop3A_126 = %parallel_loop3A to %parallel_loop3A_107 step %parallel_loop3A_108  : i32 {
            %parallel_loop3A_127 = arith.index_cast %parallel_loop3A_126 : i32 to index
            %parallel_loop3A_128 = tpu.vector_load %run_scoped3A[%parallel_loop3A_127] {strides = array<i32>} : memref<6400xi32, #tpu.memory_space<vmem>>, vector<16xi32>,
            %parallel_loop3A_129 = tpu.vector_load_idx %arg7[%parallel_loop3A_128] : memref<100000xi32, #tpu.memory_space<vmem>>[vector<16xi32>], vector<16xi32>,
            %parallel_loop3A_130 = vector.bitcast %parallel_loop3A_129 : vector<16xi32> to vector<16xf32>
            %parallel_loop3A_131 = arith.index_cast %parallel_loop3A_126 : i32 to index
            %parallel_loop3A_132 = tpu.vector_load %run_scoped3A_30[%parallel_loop3A_131] {strides = array<i32>} : memref<6400xf32, #tpu.memory_space<vmem>>, vector<16xf32>,
            tpu.vector_store %run_scoped3A_30[%parallel_loop3A_131], %parallel_loop3A_130 {strides = array<i32>} : memref<6400xf32, #tpu.memory_space<vmem>>, vector<16xf32>,
          } {sc.loop_unroll_factor = 8 : i64, sc.parallel_access}
          %mul3A_109 = arith.constant 12 : i32
          %mul3A_110 = arith.muli %mul3A_86, %mul3A_109 : i32
          %add3A_111 = arith.addi %add3A, %mul3A_110 : i32
          %mul3A_112 = arith.constant 6400 : i32
          %mul3A_113 = arith.muli %add3A_111, %mul3A_112 : i32
          %dma_start3A_114 = tpu.memref_slice %arg5[%mul3A_113] : memref<6400000xf32, #tpu.memory_space<hbm>> -> memref<6400xf32, #tpu.memory_space<hbm>>
          %dma_start3A_115 = tpu.memref_slice %arg5[%mul3A_113] : memref<6400000xf32, #tpu.memory_space<hbm>> -> memref<6400xf32, #tpu.memory_space<hbm>>
          tpu.enqueue_dma source(%run_scoped3A_30 : memref<6400xf32, #tpu.memory_space<vmem>>) target(%dma_start3A_115 : memref<6400xf32, #tpu.memory_space<hbm>>) target_semaphore(%run_scoped3A_35 : memref<!tpu.dma_semaphore, #tpu.memory_space<semaphore_mem>>)
          %add3A_116 = arith.constant 2 : i32
          %add3A_117 = arith.addi %mul3A_86, %add3A_116 : i32
          %lt3A_118 = arith.cmpi slt, %add3A_117, %add3A_28 : i32
          %convert_element_type3A_119 = arith.extui %lt3A_118 : i1 to i32
          %cond3A_120 = arith.constant 0 : i32
          %cond3A_121 = arith.cmpi ne, %convert_element_type3A_119, %cond3A_120 : i32
          scf.if %cond3A_121 {
            %add3A_126 = arith.constant 2 : i32
            %add3A_127 = arith.addi %mul3A_86, %add3A_126 : i32
            %mul3A_128 = arith.constant 12 : i32
            %mul3A_129 = arith.muli %add3A_127, %mul3A_128 : i32
            %add3A_130 = arith.addi %add3A, %mul3A_129 : i32
            %mul3A_131 = arith.constant 6400 : i32
            %mul3A_132 = arith.muli %add3A_130, %mul3A_131 : i32
            %dma_start3A_133 = tpu.memref_slice %arg4[%mul3A_132] : memref<12800000xi32, #tpu.memory_space<hbm>> -> memref<6400xi32, #tpu.memory_space<hbm>>
            %dma_start3A_134 = tpu.memref_slice %arg4[%mul3A_132] : memref<12800000xi32, #tpu.memory_space<hbm>> -> memref<6400xi32, #tpu.memory_space<hbm>>
            tpu.enqueue_dma source(%dma_start3A_134 : memref<6400xi32, #tpu.memory_space<hbm>>) target(%run_scoped3A : memref<6400xi32, #tpu.memory_space<vmem>>) target_semaphore(%run_scoped3A_33 : memref<!tpu.dma_semaphore, #tpu.memory_space<semaphore_mem>>)
          } else {
          }
          %lt3A_122 = arith.cmpi slt, %add3A_88, %add3A_28 : i32
          %convert_element_type3A_123 = arith.extui %lt3A_122 : i1 to i32
          %cond3A_124 = arith.constant 0 : i32
          %cond3A_125 = arith.cmpi ne, %convert_element_type3A_123, %cond3A_124 : i32
          scf.if %cond3A_125 {
            %dma_wait3A_126 = arith.constant 0 : i32
            %dma_wait3A_127 = tpu.memref_slice %arg4[%dma_wait3A_126] : memref<12800000xi32, #tpu.memory_space<hbm>> -> memref<6400xi32, #tpu.memory_space<hbm>>
            %dma_wait3A_128 = arith.constant 0 : i32
            %dma_wait3A_129 = tpu.memref_slice %arg4[%dma_wait3A_128] : memref<12800000xi32, #tpu.memory_space<hbm>> -> memref<6400xi32, #tpu.memory_space<hbm>>
            tpu.wait_dma2 semaphore(%run_scoped3A_34 : memref<!tpu.dma_semaphore, #tpu.memory_space<semaphore_mem>>) src(%dma_wait3A_129 : memref<6400xi32, #tpu.memory_space<hbm>>) dst(%run_scoped3A_29 : memref<6400xi32, #tpu.memory_space<vmem>>)
            %ge3A_130 = arith.constant 2 : i32
            %ge3A_131 = arith.cmpi sge, %add3A_88, %ge3A_130 : i32
            %convert_element_type3A_132 = arith.extui %ge3A_131 : i1 to i32
            %cond3A_133 = arith.constant 0 : i32
            %cond3A_134 = arith.cmpi ne, %convert_element_type3A_132, %cond3A_133 : i32
            scf.if %cond3A_134 {
              %dma_wait3A_150 = arith.constant 0 : i32
              %dma_wait3A_151 = tpu.memref_slice %arg5[%dma_wait3A_150] : memref<6400000xf32, #tpu.memory_space<hbm>> -> memref<6400xf32, #tpu.memory_space<hbm>>
              %dma_wait3A_152 = arith.constant 0 : i32
              %dma_wait3A_153 = tpu.memref_slice %arg5[%dma_wait3A_152] : memref<6400000xf32, #tpu.memory_space<hbm>> -> memref<6400xf32, #tpu.memory_space<hbm>>
              tpu.wait_dma2 semaphore(%run_scoped3A_36 : memref<!tpu.dma_semaphore, #tpu.memory_space<semaphore_mem>>) src(%run_scoped3A_31 : memref<6400xf32, #tpu.memory_space<vmem>>) dst(%dma_wait3A_153 : memref<6400xf32, #tpu.memory_space<hbm>>)
            } else {
            }
            %mul3A_135 = arith.constant 12 : i32
            %mul3A_136 = arith.muli %add3A_88, %mul3A_135 : i32
            %add3A_137 = arith.addi %add3A, %mul3A_136 : i32
            %mul3A_138 = arith.constant 6400 : i32
            %mul3A_139 = arith.muli %add3A_137, %mul3A_138 : i32
            %parallel_loop3A_140 = arith.constant 0 : i32
            %parallel_loop3A_141 = arith.constant 6400 : i32
            %parallel_loop3A_142 = arith.constant 16 : i32
            scf.for %parallel_loop3A_150 = %parallel_loop3A_140 to %parallel_loop3A_141 step %parallel_loop3A_142  : i32 {
              %parallel_loop3A_151 = arith.index_cast %parallel_loop3A_150 : i32 to index
              %parallel_loop3A_152 = tpu.vector_load %run_scoped3A_29[%parallel_loop3A_151] {strides = array<i32>} : memref<6400xi32, #tpu.memory_space<vmem>>, vector<16xi32>,
              %parallel_loop3A_153 = tpu.vector_load_idx %arg7[%parallel_loop3A_152] : memref<100000xi32, #tpu.memory_space<vmem>>[vector<16xi32>], vector<16xi32>,
              %parallel_loop3A_154 = vector.bitcast %parallel_loop3A_153 : vector<16xi32> to vector<16xf32>
              %parallel_loop3A_155 = arith.index_cast %parallel_loop3A_150 : i32 to index
              %parallel_loop3A_156 = tpu.vector_load %run_scoped3A_31[%parallel_loop3A_155] {strides = array<i32>} : memref<6400xf32, #tpu.memory_space<vmem>>, vector<16xf32>,
              tpu.vector_store %run_scoped3A_31[%parallel_loop3A_155], %parallel_loop3A_154 {strides = array<i32>} : memref<6400xf32, #tpu.memory_space<vmem>>, vector<16xf32>,
            } {sc.loop_unroll_factor = 8 : i64, sc.parallel_access}
            %mul3A_143 = arith.constant 12 : i32
            %mul3A_144 = arith.muli %add3A_88, %mul3A_143 : i32
            %add3A_145 = arith.addi %add3A, %mul3A_144 : i32
            %mul3A_146 = arith.constant 6400 : i32
            %mul3A_147 = arith.muli %add3A_145, %mul3A_146 : i32
            %dma_start3A_148 = tpu.memref_slice %arg5[%mul3A_147] : memref<6400000xf32, #tpu.memory_space<hbm>> -> memref<6400xf32, #tpu.memory_space<hbm>>
            %dma_start3A_149 = tpu.memref_slice %arg5[%mul3A_147] : memref<6400000xf32, #tpu.memory_space<hbm>> -> memref<6400xf32, #tpu.memory_space<hbm>>
            tpu.enqueue_dma source(%run_scoped3A_31 : memref<6400xf32, #tpu.memory_space<vmem>>) target(%dma_start3A_149 : memref<6400xf32, #tpu.memory_space<hbm>>) target_semaphore(%run_scoped3A_36 : memref<!tpu.dma_semaphore, #tpu.memory_space<semaphore_mem>>)
          } else {
          }
        }
        %dma_wait3A = arith.constant 0 : i32
        %dma_wait3A_77 = tpu.memref_slice %arg5[%dma_wait3A] : memref<6400000xf32, #tpu.memory_space<hbm>> -> memref<6400xf32, #tpu.memory_space<hbm>>
        %dma_wait3A_78 = arith.constant 0 : i32
        %dma_wait3A_79 = tpu.memref_slice %arg5[%dma_wait3A_78] : memref<6400000xf32, #tpu.memory_space<hbm>> -> memref<6400xf32, #tpu.memory_space<hbm>>
        tpu.wait_dma2 semaphore(%run_scoped3A_35 : memref<!tpu.dma_semaphore, #tpu.memory_space<semaphore_mem>>) src(%run_scoped3A_30 : memref<6400xf32, #tpu.memory_space<vmem>>) dst(%dma_wait3A_79 : memref<6400xf32, #tpu.memory_space<hbm>>)
        %ge3A = arith.constant 2 : i32
        %ge3A_80 = arith.cmpi sge, %add3A_28, %ge3A : i32
        %convert_element_type3A_81 = arith.extui %ge3A_80 : i1 to i32
        %cond3A_82 = arith.constant 0 : i32
        %cond3A_83 = arith.cmpi ne, %convert_element_type3A_81, %cond3A_82 : i32
        scf.if %cond3A_83 {
          %dma_wait3A_84 = arith.constant 0 : i32
          %dma_wait3A_85 = tpu.memref_slice %arg5[%dma_wait3A_84] : memref<6400000xf32, #tpu.memory_space<hbm>> -> memref<6400xf32, #tpu.memory_space<hbm>>
          %dma_wait3A_86 = arith.constant 0 : i32
          %dma_wait3A_87 = tpu.memref_slice %arg5[%dma_wait3A_86] : memref<6400000xf32, #tpu.memory_space<hbm>> -> memref<6400xf32, #tpu.memory_space<hbm>>
          tpu.wait_dma2 semaphore(%run_scoped3A_36 : memref<!tpu.dma_semaphore, #tpu.memory_space<semaphore_mem>>) src(%run_scoped3A_31 : memref<6400xf32, #tpu.memory_space<vmem>>) dst(%dma_wait3A_87 : memref<6400xf32, #tpu.memory_space<hbm>>)
        } else {
        }
        tpu.yield
      }) : () -> ()
    } else {
    }
    %not3A = arith.constant true
    %not3A_3 = arith.xori %lt3A_1, %not3A : i1
    %convert_element_type3A_4 = arith.extui %not3A_3 : i1 to i32
    %cond3A_5 = arith.constant 0 : i32
    %cond3A_6 = arith.cmpi ne, %convert_element_type3A_4, %cond3A_5 : i32
    scf.if %cond3A_6 {
      %sub3A = arith.constant 12 : i32
      %sub3A_7 = arith.subi %add3A, %sub3A : i32
      %sub3A_8 = arith.constant 1250 : i32
      %sub3A_9 = arith.subi %sub3A_8, %sub3A_7 : i32
      %sub3A_10 = arith.constant 1 : i32
      %sub3A_11 = arith.subi %sub3A_9, %sub3A_10 : i32
      %jit3A = arith.constant 20 : i32
      %div3A = arith.divsi %sub3A_11, %jit3A : i32
      %sign3A = arith.constant 0 : i32
      %sign3A_12 = arith.cmpi sgt, %sub3A_11, %sign3A : i32
      %sign3A_13 = arith.extui %sign3A_12 : i1 to i32
      %sign3A_14 = arith.constant 0 : i32
      %sign3A_15 = arith.cmpi slt, %sub3A_11, %sign3A_14 : i32
      %sign3A_16 = arith.extui %sign3A_15 : i1 to i32
      %sign3A_17 = arith.subi %sign3A_13, %sign3A_16 : i32
      %sign3A_18 = arith.constant 0 : i32
      %sign3A_19 = arith.cmpi sgt, %jit3A, %sign3A_18 : i32
      %sign3A_20 = arith.extui %sign3A_19 : i1 to i32
      %sign3A_21 = arith.constant 0 : i32
      %sign3A_22 = arith.cmpi slt, %jit3A, %sign3A_21 : i32
      %sign3A_23 = arith.extui %sign3A_22 : i1 to i32
      %sign3A_24 = arith.subi %sign3A_20, %sign3A_23 : i32
      %ne3A = arith.cmpi ne, %sign3A_17, %sign3A_24 : i32
      %rem3A = arith.remsi %sub3A_11, %jit3A : i32
      %ne3A_25 = arith.constant 0 : i32
      %ne3A_26 = arith.cmpi ne, %rem3A, %ne3A_25 : i32
      %and3A = arith.andi %ne3A, %ne3A_26 : i1
      %sub3A_27 = arith.constant 1 : i32
      %sub3A_28 = arith.subi %div3A, %sub3A_27 : i32
      %select_n3A = arith.select %and3A, %sub3A_28, %div3A : i32
      %add3A_29 = arith.constant 1 : i32
      %add3A_30 = arith.addi %select_n3A, %add3A_29 : i32
      "tpu.region"() ({
        %run_scoped3A = memref.alloca() : memref<5120xi32, #tpu.memory_space<vmem>>
        %run_scoped3A_31 = memref.alloca() : memref<5120xi32, #tpu.memory_space<vmem>>
        %run_scoped3A_32 = memref.alloca() : memref<5120xi32, #tpu.memory_space<vmem>>
        %run_scoped3A_33 = memref.alloca() : memref<5120xi32, #tpu.memory_space<vmem>>
        %run_scoped3A_34 = memref.alloca() : memref<5120xi32, #tpu.memory_space<vmem>>
        %run_scoped3A_35 = memref.alloca() : memref<5120xi32, #tpu.memory_space<vmem>>
        %run_scoped3A_36 = tpu.sem_alloc : memref<!tpu.dma_semaphore, #tpu.memory_space<semaphore_mem>>
        %run_scoped3A_37 = tpu.sem_alloc : memref<!tpu.dma_semaphore, #tpu.memory_space<semaphore_mem>>
        %run_scoped3A_38 = tpu.sem_alloc : memref<!tpu.dma_semaphore, #tpu.memory_space<semaphore_mem>>
        %run_scoped3A_39 = tpu.sem_alloc : memref<!tpu.dma_semaphore, #tpu.memory_space<semaphore_mem>>
        %run_scoped3A_40 = tpu.sem_alloc : memref<!tpu.dma_semaphore, #tpu.memory_space<semaphore_mem>>
        tpu.enqueue_dma source(%arg3 : memref<100000xi32, #tpu.memory_space<hbm>>) target(%arg7 : memref<100000xi32, #tpu.memory_space<vmem>>) target_semaphore(%run_scoped3A_36 : memref<!tpu.dma_semaphore, #tpu.memory_space<semaphore_mem>>)
        tpu.wait_dma2 semaphore(%run_scoped3A_36 : memref<!tpu.dma_semaphore, #tpu.memory_space<semaphore_mem>>) src(%arg3 : memref<100000xi32, #tpu.memory_space<hbm>>) dst(%arg7 : memref<100000xi32, #tpu.memory_space<vmem>>)
        %add3A_41 = arith.constant 0 : i32
        %add3A_42 = arith.addi %sub3A_7, %add3A_41 : i32
        %mul3A_43 = arith.constant 5120 : i32
        %mul3A_44 = arith.muli %add3A_42, %mul3A_43 : i32
        %dma_start3A = tpu.memref_slice %arg4[%mul3A_44] : memref<12800000xi32, #tpu.memory_space<hbm>> -> memref<5120xi32, #tpu.memory_space<hbm>>
        %dma_start3A_45 = tpu.memref_slice %arg4[%mul3A_44] : memref<12800000xi32, #tpu.memory_space<hbm>> -> memref<5120xi32, #tpu.memory_space<hbm>>
        tpu.enqueue_dma source(%dma_start3A_45 : memref<5120xi32, #tpu.memory_space<hbm>>) target(%run_scoped3A : memref<5120xi32, #tpu.memory_space<vmem>>) target_semaphore(%run_scoped3A_37 : memref<!tpu.dma_semaphore, #tpu.memory_space<semaphore_mem>>)
        %add3A_46 = arith.constant 0 : i32
        %add3A_47 = arith.addi %sub3A_7, %add3A_46 : i32
        %mul3A_48 = arith.constant 5120 : i32
        %mul3A_49 = arith.muli %add3A_47, %mul3A_48 : i32
        %add3A_50 = arith.constant 6400000 : i32
        %add3A_51 = arith.addi %add3A_50, %mul3A_49 : i32
        %dma_start3A_52 = tpu.memref_slice %arg4[%add3A_51] : memref<12800000xi32, #tpu.memory_space<hbm>> -> memref<5120xi32, #tpu.memory_space<hbm>>
        %dma_start3A_53 = tpu.memref_slice %arg4[%add3A_51] : memref<12800000xi32, #tpu.memory_space<hbm>> -> memref<5120xi32, #tpu.memory_space<hbm>>
        tpu.enqueue_dma source(%dma_start3A_53 : memref<5120xi32, #tpu.memory_space<hbm>>) target(%run_scoped3A_32 : memref<5120xi32, #tpu.memory_space<vmem>>) target_semaphore(%run_scoped3A_37 : memref<!tpu.dma_semaphore, #tpu.memory_space<semaphore_mem>>)
        %add3A_54 = arith.constant 1 : i32
        %add3A_55 = arith.addi %add3A_30, %add3A_54 : i32
        %jit3A_56 = arith.constant 2 : i32
        %div3A_57 = arith.divsi %add3A_55, %jit3A_56 : i32
        %sign3A_58 = arith.constant 0 : i32
        %sign3A_59 = arith.cmpi sgt, %add3A_55, %sign3A_58 : i32
        %sign3A_60 = arith.extui %sign3A_59 : i1 to i32
        %sign3A_61 = arith.constant 0 : i32
        %sign3A_62 = arith.cmpi slt, %add3A_55, %sign3A_61 : i32
        %sign3A_63 = arith.extui %sign3A_62 : i1 to i32
        %sign3A_64 = arith.subi %sign3A_60, %sign3A_63 : i32
        %sign3A_65 = arith.constant 0 : i32
        %sign3A_66 = arith.cmpi sgt, %jit3A_56, %sign3A_65 : i32
        %sign3A_67 = arith.extui %sign3A_66 : i1 to i32
        %sign3A_68 = arith.constant 0 : i32
        %sign3A_69 = arith.cmpi slt, %jit3A_56, %sign3A_68 : i32
        %sign3A_70 = arith.extui %sign3A_69 : i1 to i32
        %sign3A_71 = arith.subi %sign3A_67, %sign3A_70 : i32
        %ne3A_72 = arith.cmpi ne, %sign3A_64, %sign3A_71 : i32
        %rem3A_73 = arith.remsi %add3A_55, %jit3A_56 : i32
        %ne3A_74 = arith.constant 0 : i32
        %ne3A_75 = arith.cmpi ne, %rem3A_73, %ne3A_74 : i32
        %and3A_76 = arith.andi %ne3A_72, %ne3A_75 : i1
        %sub3A_77 = arith.constant 1 : i32
        %sub3A_78 = arith.subi %div3A_57, %sub3A_77 : i32
        %select_n3A_79 = arith.select %and3A_76, %sub3A_78, %div3A_57 : i32
        %while3A = arith.constant 0 : i32
        %while3A_80 = arith.constant 0 : i32
        %while3A_81 = arith.subi %select_n3A_79, %while3A_80 : i32
        %while3A_82 = arith.addi %while3A_80, %while3A_81 : i32
        %while3A_83 = arith.constant 1 : i32
        %while3A_84 = arith.divsi %while3A_81, %while3A_83 : i32
        %while3A_85 = arith.muli %while3A_84, %while3A_83 : i32
        %while3A_86 = arith.addi %while3A_80, %while3A_85 : i32
        %while3A_87 = arith.constant 1 : i32
        scf.for %while3A_96 = %while3A_80 to %while3A_86 step %while3A_87  : i32 {
          %mul3A_97 = arith.constant 2 : i32
          %mul3A_98 = arith.muli %mul3A_97, %while3A_96 : i32
          %add3A_99 = arith.constant 1 : i32
          %add3A_100 = arith.addi %mul3A_98, %add3A_99 : i32
          %lt3A_101 = arith.cmpi slt, %add3A_100, %add3A_30 : i32
          %convert_element_type3A_102 = arith.extui %lt3A_101 : i1 to i32
          %cond3A_103 = arith.constant 0 : i32
          %cond3A_104 = arith.cmpi ne, %convert_element_type3A_102, %cond3A_103 : i32
          scf.if %cond3A_104 {
            %mul3A_142 = arith.constant 20 : i32
            %mul3A_143 = arith.muli %add3A_100, %mul3A_142 : i32
            %add3A_144 = arith.addi %sub3A_7, %mul3A_143 : i32
            %mul3A_145 = arith.constant 5120 : i32
            %mul3A_146 = arith.muli %add3A_144, %mul3A_145 : i32
            %dma_start3A_147 = tpu.memref_slice %arg4[%mul3A_146] : memref<12800000xi32, #tpu.memory_space<hbm>> -> memref<5120xi32, #tpu.memory_space<hbm>>
            %dma_start3A_148 = tpu.memref_slice %arg4[%mul3A_146] : memref<12800000xi32, #tpu.memory_space<hbm>> -> memref<5120xi32, #tpu.memory_space<hbm>>
            tpu.enqueue_dma source(%dma_start3A_148 : memref<5120xi32, #tpu.memory_space<hbm>>) target(%run_scoped3A_31 : memref<5120xi32, #tpu.memory_space<vmem>>) target_semaphore(%run_scoped3A_38 : memref<!tpu.dma_semaphore, #tpu.memory_space<semaphore_mem>>)
            %mul3A_149 = arith.constant 20 : i32
            %mul3A_150 = arith.muli %add3A_100, %mul3A_149 : i32
            %add3A_151 = arith.addi %sub3A_7, %mul3A_150 : i32
            %mul3A_152 = arith.constant 5120 : i32
            %mul3A_153 = arith.muli %add3A_151, %mul3A_152 : i32
            %add3A_154 = arith.constant 6400000 : i32
            %add3A_155 = arith.addi %add3A_154, %mul3A_153 : i32
            %dma_start3A_156 = tpu.memref_slice %arg4[%add3A_155] : memref<12800000xi32, #tpu.memory_space<hbm>> -> memref<5120xi32, #tpu.memory_space<hbm>>
            %dma_start3A_157 = tpu.memref_slice %arg4[%add3A_155] : memref<12800000xi32, #tpu.memory_space<hbm>> -> memref<5120xi32, #tpu.memory_space<hbm>>
            tpu.enqueue_dma source(%dma_start3A_157 : memref<5120xi32, #tpu.memory_space<hbm>>) target(%run_scoped3A_33 : memref<5120xi32, #tpu.memory_space<vmem>>) target_semaphore(%run_scoped3A_38 : memref<!tpu.dma_semaphore, #tpu.memory_space<semaphore_mem>>)
          } else {
          }
          %dma_wait3A_105 = arith.constant 0 : i32
          %dma_wait3A_106 = tpu.memref_slice %arg4[%dma_wait3A_105] : memref<12800000xi32, #tpu.memory_space<hbm>> -> memref<5120xi32, #tpu.memory_space<hbm>>
          %dma_wait3A_107 = arith.constant 0 : i32
          %dma_wait3A_108 = tpu.memref_slice %arg4[%dma_wait3A_107] : memref<12800000xi32, #tpu.memory_space<hbm>> -> memref<5120xi32, #tpu.memory_space<hbm>>
          tpu.wait_dma2 semaphore(%run_scoped3A_37 : memref<!tpu.dma_semaphore, #tpu.memory_space<semaphore_mem>>) src(%dma_wait3A_108 : memref<5120xi32, #tpu.memory_space<hbm>>) dst(%run_scoped3A : memref<5120xi32, #tpu.memory_space<vmem>>)
          %dma_wait3A_109 = arith.constant 0 : i32
          %dma_wait3A_110 = tpu.memref_slice %arg4[%dma_wait3A_109] : memref<12800000xi32, #tpu.memory_space<hbm>> -> memref<5120xi32, #tpu.memory_space<hbm>>
          %dma_wait3A_111 = arith.constant 0 : i32
          %dma_wait3A_112 = tpu.memref_slice %arg4[%dma_wait3A_111] : memref<12800000xi32, #tpu.memory_space<hbm>> -> memref<5120xi32, #tpu.memory_space<hbm>>
          tpu.wait_dma2 semaphore(%run_scoped3A_37 : memref<!tpu.dma_semaphore, #tpu.memory_space<semaphore_mem>>) src(%dma_wait3A_112 : memref<5120xi32, #tpu.memory_space<hbm>>) dst(%run_scoped3A_32 : memref<5120xi32, #tpu.memory_space<vmem>>)
          %ge3A_113 = arith.constant 2 : i32
          %ge3A_114 = arith.cmpi sge, %mul3A_98, %ge3A_113 : i32
          %convert_element_type3A_115 = arith.extui %ge3A_114 : i1 to i32
          %cond3A_116 = arith.constant 0 : i32
          %cond3A_117 = arith.cmpi ne, %convert_element_type3A_115, %cond3A_116 : i32
          scf.if %cond3A_117 {
            %dma_wait3A_142 = arith.constant 0 : i32
            %dma_wait3A_143 = tpu.memref_slice %arg6[%dma_wait3A_142] : memref<6400000xi32, #tpu.memory_space<hbm>> -> memref<5120xi32, #tpu.memory_space<hbm>>
            %dma_wait3A_144 = arith.constant 0 : i32
            %dma_wait3A_145 = tpu.memref_slice %arg6[%dma_wait3A_144] : memref<6400000xi32, #tpu.memory_space<hbm>> -> memref<5120xi32, #tpu.memory_space<hbm>>
            tpu.wait_dma2 semaphore(%run_scoped3A_39 : memref<!tpu.dma_semaphore, #tpu.memory_space<semaphore_mem>>) src(%run_scoped3A_34 : memref<5120xi32, #tpu.memory_space<vmem>>) dst(%dma_wait3A_145 : memref<5120xi32, #tpu.memory_space<hbm>>)
          } else {
          }
          %mul3A_118 = arith.constant 20 : i32
          %mul3A_119 = arith.muli %mul3A_98, %mul3A_118 : i32
          %add3A_120 = arith.addi %sub3A_7, %mul3A_119 : i32
          %mul3A_121 = arith.constant 5120 : i32
          %mul3A_122 = arith.muli %add3A_120, %mul3A_121 : i32
          %parallel_loop3A = arith.constant 0 : i32
          %parallel_loop3A_123 = arith.constant 5120 : i32
          %parallel_loop3A_124 = arith.constant 16 : i32
          scf.for %parallel_loop3A_142 = %parallel_loop3A to %parallel_loop3A_123 step %parallel_loop3A_124  : i32 {
            %parallel_loop3A_143 = arith.index_cast %parallel_loop3A_142 : i32 to index
            %parallel_loop3A_144 = tpu.vector_load %run_scoped3A[%parallel_loop3A_143] {strides = array<i32>} : memref<5120xi32, #tpu.memory_space<vmem>>, vector<16xi32>,
            %parallel_loop3A_145 = tpu.vector_load_idx %arg7[%parallel_loop3A_144] : memref<100000xi32, #tpu.memory_space<vmem>>[vector<16xi32>], vector<16xi32>,
            %parallel_loop3A_146 = arith.index_cast %parallel_loop3A_142 : i32 to index
            %parallel_loop3A_147 = tpu.vector_load %run_scoped3A_32[%parallel_loop3A_146] {strides = array<i32>} : memref<5120xi32, #tpu.memory_space<vmem>>, vector<16xi32>,
            %parallel_loop3A_148 = tpu.vector_load_idx %arg7[%parallel_loop3A_147] : memref<100000xi32, #tpu.memory_space<vmem>>[vector<16xi32>], vector<16xi32>,
            %parallel_loop3A_149 = arith.cmpi eq, %parallel_loop3A_145, %parallel_loop3A_148 : vector<16xi32>
            %parallel_loop3A_150 = arith.extui %parallel_loop3A_149 : vector<16xi1> to vector<16xi32>
            %parallel_loop3A_151 = arith.index_cast %parallel_loop3A_142 : i32 to index
            %parallel_loop3A_152 = tpu.vector_load %run_scoped3A_34[%parallel_loop3A_151] {strides = array<i32>} : memref<5120xi32, #tpu.memory_space<vmem>>, vector<16xi32>,
            tpu.vector_store %run_scoped3A_34[%parallel_loop3A_151], %parallel_loop3A_150 {strides = array<i32>} : memref<5120xi32, #tpu.memory_space<vmem>>, vector<16xi32>,
          } {sc.loop_unroll_factor = 8 : i64, sc.parallel_access}
          %mul3A_125 = arith.constant 20 : i32
          %mul3A_126 = arith.muli %mul3A_98, %mul3A_125 : i32
          %add3A_127 = arith.addi %sub3A_7, %mul3A_126 : i32
          %mul3A_128 = arith.constant 5120 : i32
          %mul3A_129 = arith.muli %add3A_127, %mul3A_128 : i32
          %dma_start3A_130 = tpu.memref_slice %arg6[%mul3A_129] : memref<6400000xi32, #tpu.memory_space<hbm>> -> memref<5120xi32, #tpu.memory_space<hbm>>
          %dma_start3A_131 = tpu.memref_slice %arg6[%mul3A_129] : memref<6400000xi32, #tpu.memory_space<hbm>> -> memref<5120xi32, #tpu.memory_space<hbm>>
          tpu.enqueue_dma source(%run_scoped3A_34 : memref<5120xi32, #tpu.memory_space<vmem>>) target(%dma_start3A_131 : memref<5120xi32, #tpu.memory_space<hbm>>) target_semaphore(%run_scoped3A_39 : memref<!tpu.dma_semaphore, #tpu.memory_space<semaphore_mem>>)
          %add3A_132 = arith.constant 2 : i32
          %add3A_133 = arith.addi %mul3A_98, %add3A_132 : i32
          %lt3A_134 = arith.cmpi slt, %add3A_133, %add3A_30 : i32
          %convert_element_type3A_135 = arith.extui %lt3A_134 : i1 to i32
          %cond3A_136 = arith.constant 0 : i32
          %cond3A_137 = arith.cmpi ne, %convert_element_type3A_135, %cond3A_136 : i32
          scf.if %cond3A_137 {
            %add3A_142 = arith.constant 2 : i32
            %add3A_143 = arith.addi %mul3A_98, %add3A_142 : i32
            %mul3A_144 = arith.constant 20 : i32
            %mul3A_145 = arith.muli %add3A_143, %mul3A_144 : i32
            %add3A_146 = arith.addi %sub3A_7, %mul3A_145 : i32
            %mul3A_147 = arith.constant 5120 : i32
            %mul3A_148 = arith.muli %add3A_146, %mul3A_147 : i32
            %dma_start3A_149 = tpu.memref_slice %arg4[%mul3A_148] : memref<12800000xi32, #tpu.memory_space<hbm>> -> memref<5120xi32, #tpu.memory_space<hbm>>
            %dma_start3A_150 = tpu.memref_slice %arg4[%mul3A_148] : memref<12800000xi32, #tpu.memory_space<hbm>> -> memref<5120xi32, #tpu.memory_space<hbm>>
            tpu.enqueue_dma source(%dma_start3A_150 : memref<5120xi32, #tpu.memory_space<hbm>>) target(%run_scoped3A : memref<5120xi32, #tpu.memory_space<vmem>>) target_semaphore(%run_scoped3A_37 : memref<!tpu.dma_semaphore, #tpu.memory_space<semaphore_mem>>)
            %mul3A_151 = arith.constant 20 : i32
            %mul3A_152 = arith.muli %add3A_143, %mul3A_151 : i32
            %add3A_153 = arith.addi %sub3A_7, %mul3A_152 : i32
            %mul3A_154 = arith.constant 5120 : i32
            %mul3A_155 = arith.muli %add3A_153, %mul3A_154 : i32
            %add3A_156 = arith.constant 6400000 : i32
            %add3A_157 = arith.addi %add3A_156, %mul3A_155 : i32
            %dma_start3A_158 = tpu.memref_slice %arg4[%add3A_157] : memref<12800000xi32, #tpu.memory_space<hbm>> -> memref<5120xi32, #tpu.memory_space<hbm>>
            %dma_start3A_159 = tpu.memref_slice %arg4[%add3A_157] : memref<12800000xi32, #tpu.memory_space<hbm>> -> memref<5120xi32, #tpu.memory_space<hbm>>
            tpu.enqueue_dma source(%dma_start3A_159 : memref<5120xi32, #tpu.memory_space<hbm>>) target(%run_scoped3A_32 : memref<5120xi32, #tpu.memory_space<vmem>>) target_semaphore(%run_scoped3A_37 : memref<!tpu.dma_semaphore, #tpu.memory_space<semaphore_mem>>)
          } else {
          }
          %lt3A_138 = arith.cmpi slt, %add3A_100, %add3A_30 : i32
          %convert_element_type3A_139 = arith.extui %lt3A_138 : i1 to i32
          %cond3A_140 = arith.constant 0 : i32
          %cond3A_141 = arith.cmpi ne, %convert_element_type3A_139, %cond3A_140 : i32
          scf.if %cond3A_141 {
            %dma_wait3A_142 = arith.constant 0 : i32
            %dma_wait3A_143 = tpu.memref_slice %arg4[%dma_wait3A_142] : memref<12800000xi32, #tpu.memory_space<hbm>> -> memref<5120xi32, #tpu.memory_space<hbm>>
            %dma_wait3A_144 = arith.constant 0 : i32
            %dma_wait3A_145 = tpu.memref_slice %arg4[%dma_wait3A_144] : memref<12800000xi32, #tpu.memory_space<hbm>> -> memref<5120xi32, #tpu.memory_space<hbm>>
            tpu.wait_dma2 semaphore(%run_scoped3A_38 : memref<!tpu.dma_semaphore, #tpu.memory_space<semaphore_mem>>) src(%dma_wait3A_145 : memref<5120xi32, #tpu.memory_space<hbm>>) dst(%run_scoped3A_31 : memref<5120xi32, #tpu.memory_space<vmem>>)
            %dma_wait3A_146 = arith.constant 0 : i32
            %dma_wait3A_147 = tpu.memref_slice %arg4[%dma_wait3A_146] : memref<12800000xi32, #tpu.memory_space<hbm>> -> memref<5120xi32, #tpu.memory_space<hbm>>
            %dma_wait3A_148 = arith.constant 0 : i32
            %dma_wait3A_149 = tpu.memref_slice %arg4[%dma_wait3A_148] : memref<12800000xi32, #tpu.memory_space<hbm>> -> memref<5120xi32, #tpu.memory_space<hbm>>
            tpu.wait_dma2 semaphore(%run_scoped3A_38 : memref<!tpu.dma_semaphore, #tpu.memory_space<semaphore_mem>>) src(%dma_wait3A_149 : memref<5120xi32, #tpu.memory_space<hbm>>) dst(%run_scoped3A_33 : memref<5120xi32, #tpu.memory_space<vmem>>)
            %ge3A_150 = arith.constant 2 : i32
            %ge3A_151 = arith.cmpi sge, %add3A_100, %ge3A_150 : i32
            %convert_element_type3A_152 = arith.extui %ge3A_151 : i1 to i32
            %cond3A_153 = arith.constant 0 : i32
            %cond3A_154 = arith.cmpi ne, %convert_element_type3A_152, %cond3A_153 : i32
            scf.if %cond3A_154 {
              %dma_wait3A_170 = arith.constant 0 : i32
              %dma_wait3A_171 = tpu.memref_slice %arg6[%dma_wait3A_170] : memref<6400000xi32, #tpu.memory_space<hbm>> -> memref<5120xi32, #tpu.memory_space<hbm>>
              %dma_wait3A_172 = arith.constant 0 : i32
              %dma_wait3A_173 = tpu.memref_slice %arg6[%dma_wait3A_172] : memref<6400000xi32, #tpu.memory_space<hbm>> -> memref<5120xi32, #tpu.memory_space<hbm>>
              tpu.wait_dma2 semaphore(%run_scoped3A_40 : memref<!tpu.dma_semaphore, #tpu.memory_space<semaphore_mem>>) src(%run_scoped3A_35 : memref<5120xi32, #tpu.memory_space<vmem>>) dst(%dma_wait3A_173 : memref<5120xi32, #tpu.memory_space<hbm>>)
            } else {
            }
            %mul3A_155 = arith.constant 20 : i32
            %mul3A_156 = arith.muli %add3A_100, %mul3A_155 : i32
            %add3A_157 = arith.addi %sub3A_7, %mul3A_156 : i32
            %mul3A_158 = arith.constant 5120 : i32
            %mul3A_159 = arith.muli %add3A_157, %mul3A_158 : i32
            %parallel_loop3A_160 = arith.constant 0 : i32
            %parallel_loop3A_161 = arith.constant 5120 : i32
            %parallel_loop3A_162 = arith.constant 16 : i32
            scf.for %parallel_loop3A_170 = %parallel_loop3A_160 to %parallel_loop3A_161 step %parallel_loop3A_162  : i32 {
              %parallel_loop3A_171 = arith.index_cast %parallel_loop3A_170 : i32 to index
              %parallel_loop3A_172 = tpu.vector_load %run_scoped3A_31[%parallel_loop3A_171] {strides = array<i32>} : memref<5120xi32, #tpu.memory_space<vmem>>, vector<16xi32>,
              %parallel_loop3A_173 = tpu.vector_load_idx %arg7[%parallel_loop3A_172] : memref<100000xi32, #tpu.memory_space<vmem>>[vector<16xi32>], vector<16xi32>,
              %parallel_loop3A_174 = arith.index_cast %parallel_loop3A_170 : i32 to index
              %parallel_loop3A_175 = tpu.vector_load %run_scoped3A_33[%parallel_loop3A_174] {strides = array<i32>} : memref<5120xi32, #tpu.memory_space<vmem>>, vector<16xi32>,
              %parallel_loop3A_176 = tpu.vector_load_idx %arg7[%parallel_loop3A_175] : memref<100000xi32, #tpu.memory_space<vmem>>[vector<16xi32>], vector<16xi32>,
              %parallel_loop3A_177 = arith.cmpi eq, %parallel_loop3A_173, %parallel_loop3A_176 : vector<16xi32>
              %parallel_loop3A_178 = arith.extui %parallel_loop3A_177 : vector<16xi1> to vector<16xi32>
              %parallel_loop3A_179 = arith.index_cast %parallel_loop3A_170 : i32 to index
              %parallel_loop3A_180 = tpu.vector_load %run_scoped3A_35[%parallel_loop3A_179] {strides = array<i32>} : memref<5120xi32, #tpu.memory_space<vmem>>, vector<16xi32>,
              tpu.vector_store %run_scoped3A_35[%parallel_loop3A_179], %parallel_loop3A_178 {strides = array<i32>} : memref<5120xi32, #tpu.memory_space<vmem>>, vector<16xi32>,
            } {sc.loop_unroll_factor = 8 : i64, sc.parallel_access}
            %mul3A_163 = arith.constant 20 : i32
            %mul3A_164 = arith.muli %add3A_100, %mul3A_163 : i32
            %add3A_165 = arith.addi %sub3A_7, %mul3A_164 : i32
            %mul3A_166 = arith.constant 5120 : i32
            %mul3A_167 = arith.muli %add3A_165, %mul3A_166 : i32
            %dma_start3A_168 = tpu.memref_slice %arg6[%mul3A_167] : memref<6400000xi32, #tpu.memory_space<hbm>> -> memref<5120xi32, #tpu.memory_space<hbm>>
            %dma_start3A_169 = tpu.memref_slice %arg6[%mul3A_167] : memref<6400000xi32, #tpu.memory_space<hbm>> -> memref<5120xi32, #tpu.memory_space<hbm>>
            tpu.enqueue_dma source(%run_scoped3A_35 : memref<5120xi32, #tpu.memory_space<vmem>>) target(%dma_start3A_169 : memref<5120xi32, #tpu.memory_space<hbm>>) target_semaphore(%run_scoped3A_40 : memref<!tpu.dma_semaphore, #tpu.memory_space<semaphore_mem>>)
          } else {
          }
        }
        %while3A_88 = arith.constant 1 : i32
        scf.for %while3A_96 = %while3A_86 to %while3A_82 step %while3A_88  : i32 {
          %mul3A_97 = arith.constant 2 : i32
          %mul3A_98 = arith.muli %mul3A_97, %while3A_96 : i32
          %add3A_99 = arith.constant 1 : i32
          %add3A_100 = arith.addi %mul3A_98, %add3A_99 : i32
          %lt3A_101 = arith.cmpi slt, %add3A_100, %add3A_30 : i32
          %convert_element_type3A_102 = arith.extui %lt3A_101 : i1 to i32
          %cond3A_103 = arith.constant 0 : i32
          %cond3A_104 = arith.cmpi ne, %convert_element_type3A_102, %cond3A_103 : i32
          scf.if %cond3A_104 {
            %mul3A_142 = arith.constant 20 : i32
            %mul3A_143 = arith.muli %add3A_100, %mul3A_142 : i32
            %add3A_144 = arith.addi %sub3A_7, %mul3A_143 : i32
            %mul3A_145 = arith.constant 5120 : i32
            %mul3A_146 = arith.muli %add3A_144, %mul3A_145 : i32
            %dma_start3A_147 = tpu.memref_slice %arg4[%mul3A_146] : memref<12800000xi32, #tpu.memory_space<hbm>> -> memref<5120xi32, #tpu.memory_space<hbm>>
            %dma_start3A_148 = tpu.memref_slice %arg4[%mul3A_146] : memref<12800000xi32, #tpu.memory_space<hbm>> -> memref<5120xi32, #tpu.memory_space<hbm>>
            tpu.enqueue_dma source(%dma_start3A_148 : memref<5120xi32, #tpu.memory_space<hbm>>) target(%run_scoped3A_31 : memref<5120xi32, #tpu.memory_space<vmem>>) target_semaphore(%run_scoped3A_38 : memref<!tpu.dma_semaphore, #tpu.memory_space<semaphore_mem>>)
            %mul3A_149 = arith.constant 20 : i32
            %mul3A_150 = arith.muli %add3A_100, %mul3A_149 : i32
            %add3A_151 = arith.addi %sub3A_7, %mul3A_150 : i32
            %mul3A_152 = arith.constant 5120 : i32
            %mul3A_153 = arith.muli %add3A_151, %mul3A_152 : i32
            %add3A_154 = arith.constant 6400000 : i32
            %add3A_155 = arith.addi %add3A_154, %mul3A_153 : i32
            %dma_start3A_156 = tpu.memref_slice %arg4[%add3A_155] : memref<12800000xi32, #tpu.memory_space<hbm>> -> memref<5120xi32, #tpu.memory_space<hbm>>
            %dma_start3A_157 = tpu.memref_slice %arg4[%add3A_155] : memref<12800000xi32, #tpu.memory_space<hbm>> -> memref<5120xi32, #tpu.memory_space<hbm>>
            tpu.enqueue_dma source(%dma_start3A_157 : memref<5120xi32, #tpu.memory_space<hbm>>) target(%run_scoped3A_33 : memref<5120xi32, #tpu.memory_space<vmem>>) target_semaphore(%run_scoped3A_38 : memref<!tpu.dma_semaphore, #tpu.memory_space<semaphore_mem>>)
          } else {
          }
          %dma_wait3A_105 = arith.constant 0 : i32
          %dma_wait3A_106 = tpu.memref_slice %arg4[%dma_wait3A_105] : memref<12800000xi32, #tpu.memory_space<hbm>> -> memref<5120xi32, #tpu.memory_space<hbm>>
          %dma_wait3A_107 = arith.constant 0 : i32
          %dma_wait3A_108 = tpu.memref_slice %arg4[%dma_wait3A_107] : memref<12800000xi32, #tpu.memory_space<hbm>> -> memref<5120xi32, #tpu.memory_space<hbm>>
          tpu.wait_dma2 semaphore(%run_scoped3A_37 : memref<!tpu.dma_semaphore, #tpu.memory_space<semaphore_mem>>) src(%dma_wait3A_108 : memref<5120xi32, #tpu.memory_space<hbm>>) dst(%run_scoped3A : memref<5120xi32, #tpu.memory_space<vmem>>)
          %dma_wait3A_109 = arith.constant 0 : i32
          %dma_wait3A_110 = tpu.memref_slice %arg4[%dma_wait3A_109] : memref<12800000xi32, #tpu.memory_space<hbm>> -> memref<5120xi32, #tpu.memory_space<hbm>>
          %dma_wait3A_111 = arith.constant 0 : i32
          %dma_wait3A_112 = tpu.memref_slice %arg4[%dma_wait3A_111] : memref<12800000xi32, #tpu.memory_space<hbm>> -> memref<5120xi32, #tpu.memory_space<hbm>>
          tpu.wait_dma2 semaphore(%run_scoped3A_37 : memref<!tpu.dma_semaphore, #tpu.memory_space<semaphore_mem>>) src(%dma_wait3A_112 : memref<5120xi32, #tpu.memory_space<hbm>>) dst(%run_scoped3A_32 : memref<5120xi32, #tpu.memory_space<vmem>>)
          %ge3A_113 = arith.constant 2 : i32
          %ge3A_114 = arith.cmpi sge, %mul3A_98, %ge3A_113 : i32
          %convert_element_type3A_115 = arith.extui %ge3A_114 : i1 to i32
          %cond3A_116 = arith.constant 0 : i32
          %cond3A_117 = arith.cmpi ne, %convert_element_type3A_115, %cond3A_116 : i32
          scf.if %cond3A_117 {
            %dma_wait3A_142 = arith.constant 0 : i32
            %dma_wait3A_143 = tpu.memref_slice %arg6[%dma_wait3A_142] : memref<6400000xi32, #tpu.memory_space<hbm>> -> memref<5120xi32, #tpu.memory_space<hbm>>
            %dma_wait3A_144 = arith.constant 0 : i32
            %dma_wait3A_145 = tpu.memref_slice %arg6[%dma_wait3A_144] : memref<6400000xi32, #tpu.memory_space<hbm>> -> memref<5120xi32, #tpu.memory_space<hbm>>
            tpu.wait_dma2 semaphore(%run_scoped3A_39 : memref<!tpu.dma_semaphore, #tpu.memory_space<semaphore_mem>>) src(%run_scoped3A_34 : memref<5120xi32, #tpu.memory_space<vmem>>) dst(%dma_wait3A_145 : memref<5120xi32, #tpu.memory_space<hbm>>)
          } else {
          }
          %mul3A_118 = arith.constant 20 : i32
          %mul3A_119 = arith.muli %mul3A_98, %mul3A_118 : i32
          %add3A_120 = arith.addi %sub3A_7, %mul3A_119 : i32
          %mul3A_121 = arith.constant 5120 : i32
          %mul3A_122 = arith.muli %add3A_120, %mul3A_121 : i32
          %parallel_loop3A = arith.constant 0 : i32
          %parallel_loop3A_123 = arith.constant 5120 : i32
          %parallel_loop3A_124 = arith.constant 16 : i32
          scf.for %parallel_loop3A_142 = %parallel_loop3A to %parallel_loop3A_123 step %parallel_loop3A_124  : i32 {
            %parallel_loop3A_143 = arith.index_cast %parallel_loop3A_142 : i32 to index
            %parallel_loop3A_144 = tpu.vector_load %run_scoped3A[%parallel_loop3A_143] {strides = array<i32>} : memref<5120xi32, #tpu.memory_space<vmem>>, vector<16xi32>,
            %parallel_loop3A_145 = tpu.vector_load_idx %arg7[%parallel_loop3A_144] : memref<100000xi32, #tpu.memory_space<vmem>>[vector<16xi32>], vector<16xi32>,
            %parallel_loop3A_146 = arith.index_cast %parallel_loop3A_142 : i32 to index
            %parallel_loop3A_147 = tpu.vector_load %run_scoped3A_32[%parallel_loop3A_146] {strides = array<i32>} : memref<5120xi32, #tpu.memory_space<vmem>>, vector<16xi32>,
            %parallel_loop3A_148 = tpu.vector_load_idx %arg7[%parallel_loop3A_147] : memref<100000xi32, #tpu.memory_space<vmem>>[vector<16xi32>], vector<16xi32>,
            %parallel_loop3A_149 = arith.cmpi eq, %parallel_loop3A_145, %parallel_loop3A_148 : vector<16xi32>
            %parallel_loop3A_150 = arith.extui %parallel_loop3A_149 : vector<16xi1> to vector<16xi32>
            %parallel_loop3A_151 = arith.index_cast %parallel_loop3A_142 : i32 to index
            %parallel_loop3A_152 = tpu.vector_load %run_scoped3A_34[%parallel_loop3A_151] {strides = array<i32>} : memref<5120xi32, #tpu.memory_space<vmem>>, vector<16xi32>,
            tpu.vector_store %run_scoped3A_34[%parallel_loop3A_151], %parallel_loop3A_150 {strides = array<i32>} : memref<5120xi32, #tpu.memory_space<vmem>>, vector<16xi32>,
          } {sc.loop_unroll_factor = 8 : i64, sc.parallel_access}
          %mul3A_125 = arith.constant 20 : i32
          %mul3A_126 = arith.muli %mul3A_98, %mul3A_125 : i32
          %add3A_127 = arith.addi %sub3A_7, %mul3A_126 : i32
          %mul3A_128 = arith.constant 5120 : i32
          %mul3A_129 = arith.muli %add3A_127, %mul3A_128 : i32
          %dma_start3A_130 = tpu.memref_slice %arg6[%mul3A_129] : memref<6400000xi32, #tpu.memory_space<hbm>> -> memref<5120xi32, #tpu.memory_space<hbm>>
          %dma_start3A_131 = tpu.memref_slice %arg6[%mul3A_129] : memref<6400000xi32, #tpu.memory_space<hbm>> -> memref<5120xi32, #tpu.memory_space<hbm>>
          tpu.enqueue_dma source(%run_scoped3A_34 : memref<5120xi32, #tpu.memory_space<vmem>>) target(%dma_start3A_131 : memref<5120xi32, #tpu.memory_space<hbm>>) target_semaphore(%run_scoped3A_39 : memref<!tpu.dma_semaphore, #tpu.memory_space<semaphore_mem>>)
          %add3A_132 = arith.constant 2 : i32
          %add3A_133 = arith.addi %mul3A_98, %add3A_132 : i32
          %lt3A_134 = arith.cmpi slt, %add3A_133, %add3A_30 : i32
          %convert_element_type3A_135 = arith.extui %lt3A_134 : i1 to i32
          %cond3A_136 = arith.constant 0 : i32
          %cond3A_137 = arith.cmpi ne, %convert_element_type3A_135, %cond3A_136 : i32
          scf.if %cond3A_137 {
            %add3A_142 = arith.constant 2 : i32
            %add3A_143 = arith.addi %mul3A_98, %add3A_142 : i32
            %mul3A_144 = arith.constant 20 : i32
            %mul3A_145 = arith.muli %add3A_143, %mul3A_144 : i32
            %add3A_146 = arith.addi %sub3A_7, %mul3A_145 : i32
            %mul3A_147 = arith.constant 5120 : i32
            %mul3A_148 = arith.muli %add3A_146, %mul3A_147 : i32
            %dma_start3A_149 = tpu.memref_slice %arg4[%mul3A_148] : memref<12800000xi32, #tpu.memory_space<hbm>> -> memref<5120xi32, #tpu.memory_space<hbm>>
            %dma_start3A_150 = tpu.memref_slice %arg4[%mul3A_148] : memref<12800000xi32, #tpu.memory_space<hbm>> -> memref<5120xi32, #tpu.memory_space<hbm>>
            tpu.enqueue_dma source(%dma_start3A_150 : memref<5120xi32, #tpu.memory_space<hbm>>) target(%run_scoped3A : memref<5120xi32, #tpu.memory_space<vmem>>) target_semaphore(%run_scoped3A_37 : memref<!tpu.dma_semaphore, #tpu.memory_space<semaphore_mem>>)
            %mul3A_151 = arith.constant 20 : i32
            %mul3A_152 = arith.muli %add3A_143, %mul3A_151 : i32
            %add3A_153 = arith.addi %sub3A_7, %mul3A_152 : i32
            %mul3A_154 = arith.constant 5120 : i32
            %mul3A_155 = arith.muli %add3A_153, %mul3A_154 : i32
            %add3A_156 = arith.constant 6400000 : i32
            %add3A_157 = arith.addi %add3A_156, %mul3A_155 : i32
            %dma_start3A_158 = tpu.memref_slice %arg4[%add3A_157] : memref<12800000xi32, #tpu.memory_space<hbm>> -> memref<5120xi32, #tpu.memory_space<hbm>>
            %dma_start3A_159 = tpu.memref_slice %arg4[%add3A_157] : memref<12800000xi32, #tpu.memory_space<hbm>> -> memref<5120xi32, #tpu.memory_space<hbm>>
            tpu.enqueue_dma source(%dma_start3A_159 : memref<5120xi32, #tpu.memory_space<hbm>>) target(%run_scoped3A_32 : memref<5120xi32, #tpu.memory_space<vmem>>) target_semaphore(%run_scoped3A_37 : memref<!tpu.dma_semaphore, #tpu.memory_space<semaphore_mem>>)
          } else {
          }
          %lt3A_138 = arith.cmpi slt, %add3A_100, %add3A_30 : i32
          %convert_element_type3A_139 = arith.extui %lt3A_138 : i1 to i32
          %cond3A_140 = arith.constant 0 : i32
          %cond3A_141 = arith.cmpi ne, %convert_element_type3A_139, %cond3A_140 : i32
          scf.if %cond3A_141 {
            %dma_wait3A_142 = arith.constant 0 : i32
            %dma_wait3A_143 = tpu.memref_slice %arg4[%dma_wait3A_142] : memref<12800000xi32, #tpu.memory_space<hbm>> -> memref<5120xi32, #tpu.memory_space<hbm>>
            %dma_wait3A_144 = arith.constant 0 : i32
            %dma_wait3A_145 = tpu.memref_slice %arg4[%dma_wait3A_144] : memref<12800000xi32, #tpu.memory_space<hbm>> -> memref<5120xi32, #tpu.memory_space<hbm>>
            tpu.wait_dma2 semaphore(%run_scoped3A_38 : memref<!tpu.dma_semaphore, #tpu.memory_space<semaphore_mem>>) src(%dma_wait3A_145 : memref<5120xi32, #tpu.memory_space<hbm>>) dst(%run_scoped3A_31 : memref<5120xi32, #tpu.memory_space<vmem>>)
            %dma_wait3A_146 = arith.constant 0 : i32
            %dma_wait3A_147 = tpu.memref_slice %arg4[%dma_wait3A_146] : memref<12800000xi32, #tpu.memory_space<hbm>> -> memref<5120xi32, #tpu.memory_space<hbm>>
            %dma_wait3A_148 = arith.constant 0 : i32
            %dma_wait3A_149 = tpu.memref_slice %arg4[%dma_wait3A_148] : memref<12800000xi32, #tpu.memory_space<hbm>> -> memref<5120xi32, #tpu.memory_space<hbm>>
            tpu.wait_dma2 semaphore(%run_scoped3A_38 : memref<!tpu.dma_semaphore, #tpu.memory_space<semaphore_mem>>) src(%dma_wait3A_149 : memref<5120xi32, #tpu.memory_space<hbm>>) dst(%run_scoped3A_33 : memref<5120xi32, #tpu.memory_space<vmem>>)
            %ge3A_150 = arith.constant 2 : i32
            %ge3A_151 = arith.cmpi sge, %add3A_100, %ge3A_150 : i32
            %convert_element_type3A_152 = arith.extui %ge3A_151 : i1 to i32
            %cond3A_153 = arith.constant 0 : i32
            %cond3A_154 = arith.cmpi ne, %convert_element_type3A_152, %cond3A_153 : i32
            scf.if %cond3A_154 {
              %dma_wait3A_170 = arith.constant 0 : i32
              %dma_wait3A_171 = tpu.memref_slice %arg6[%dma_wait3A_170] : memref<6400000xi32, #tpu.memory_space<hbm>> -> memref<5120xi32, #tpu.memory_space<hbm>>
              %dma_wait3A_172 = arith.constant 0 : i32
              %dma_wait3A_173 = tpu.memref_slice %arg6[%dma_wait3A_172] : memref<6400000xi32, #tpu.memory_space<hbm>> -> memref<5120xi32, #tpu.memory_space<hbm>>
              tpu.wait_dma2 semaphore(%run_scoped3A_40 : memref<!tpu.dma_semaphore, #tpu.memory_space<semaphore_mem>>) src(%run_scoped3A_35 : memref<5120xi32, #tpu.memory_space<vmem>>) dst(%dma_wait3A_173 : memref<5120xi32, #tpu.memory_space<hbm>>)
            } else {
            }
            %mul3A_155 = arith.constant 20 : i32
            %mul3A_156 = arith.muli %add3A_100, %mul3A_155 : i32
            %add3A_157 = arith.addi %sub3A_7, %mul3A_156 : i32
            %mul3A_158 = arith.constant 5120 : i32
            %mul3A_159 = arith.muli %add3A_157, %mul3A_158 : i32
            %parallel_loop3A_160 = arith.constant 0 : i32
            %parallel_loop3A_161 = arith.constant 5120 : i32
            %parallel_loop3A_162 = arith.constant 16 : i32
            scf.for %parallel_loop3A_170 = %parallel_loop3A_160 to %parallel_loop3A_161 step %parallel_loop3A_162  : i32 {
              %parallel_loop3A_171 = arith.index_cast %parallel_loop3A_170 : i32 to index
              %parallel_loop3A_172 = tpu.vector_load %run_scoped3A_31[%parallel_loop3A_171] {strides = array<i32>} : memref<5120xi32, #tpu.memory_space<vmem>>, vector<16xi32>,
              %parallel_loop3A_173 = tpu.vector_load_idx %arg7[%parallel_loop3A_172] : memref<100000xi32, #tpu.memory_space<vmem>>[vector<16xi32>], vector<16xi32>,
              %parallel_loop3A_174 = arith.index_cast %parallel_loop3A_170 : i32 to index
              %parallel_loop3A_175 = tpu.vector_load %run_scoped3A_33[%parallel_loop3A_174] {strides = array<i32>} : memref<5120xi32, #tpu.memory_space<vmem>>, vector<16xi32>,
              %parallel_loop3A_176 = tpu.vector_load_idx %arg7[%parallel_loop3A_175] : memref<100000xi32, #tpu.memory_space<vmem>>[vector<16xi32>], vector<16xi32>,
              %parallel_loop3A_177 = arith.cmpi eq, %parallel_loop3A_173, %parallel_loop3A_176 : vector<16xi32>
              %parallel_loop3A_178 = arith.extui %parallel_loop3A_177 : vector<16xi1> to vector<16xi32>
              %parallel_loop3A_179 = arith.index_cast %parallel_loop3A_170 : i32 to index
              %parallel_loop3A_180 = tpu.vector_load %run_scoped3A_35[%parallel_loop3A_179] {strides = array<i32>} : memref<5120xi32, #tpu.memory_space<vmem>>, vector<16xi32>,
              tpu.vector_store %run_scoped3A_35[%parallel_loop3A_179], %parallel_loop3A_178 {strides = array<i32>} : memref<5120xi32, #tpu.memory_space<vmem>>, vector<16xi32>,
            } {sc.loop_unroll_factor = 8 : i64, sc.parallel_access}
            %mul3A_163 = arith.constant 20 : i32
            %mul3A_164 = arith.muli %add3A_100, %mul3A_163 : i32
            %add3A_165 = arith.addi %sub3A_7, %mul3A_164 : i32
            %mul3A_166 = arith.constant 5120 : i32
            %mul3A_167 = arith.muli %add3A_165, %mul3A_166 : i32
            %dma_start3A_168 = tpu.memref_slice %arg6[%mul3A_167] : memref<6400000xi32, #tpu.memory_space<hbm>> -> memref<5120xi32, #tpu.memory_space<hbm>>
            %dma_start3A_169 = tpu.memref_slice %arg6[%mul3A_167] : memref<6400000xi32, #tpu.memory_space<hbm>> -> memref<5120xi32, #tpu.memory_space<hbm>>
            tpu.enqueue_dma source(%run_scoped3A_35 : memref<5120xi32, #tpu.memory_space<vmem>>) target(%dma_start3A_169 : memref<5120xi32, #tpu.memory_space<hbm>>) target_semaphore(%run_scoped3A_40 : memref<!tpu.dma_semaphore, #tpu.memory_space<semaphore_mem>>)
          } else {
          }
        }
        %dma_wait3A = arith.constant 0 : i32
        %dma_wait3A_89 = tpu.memref_slice %arg6[%dma_wait3A] : memref<6400000xi32, #tpu.memory_space<hbm>> -> memref<5120xi32, #tpu.memory_space<hbm>>
        %dma_wait3A_90 = arith.constant 0 : i32
        %dma_wait3A_91 = tpu.memref_slice %arg6[%dma_wait3A_90] : memref<6400000xi32, #tpu.memory_space<hbm>> -> memref<5120xi32, #tpu.memory_space<hbm>>
        tpu.wait_dma2 semaphore(%run_scoped3A_39 : memref<!tpu.dma_semaphore, #tpu.memory_space<semaphore_mem>>) src(%run_scoped3A_34 : memref<5120xi32, #tpu.memory_space<vmem>>) dst(%dma_wait3A_91 : memref<5120xi32, #tpu.memory_space<hbm>>)
        %ge3A = arith.constant 2 : i32
        %ge3A_92 = arith.cmpi sge, %add3A_30, %ge3A : i32
        %convert_element_type3A_93 = arith.extui %ge3A_92 : i1 to i32
        %cond3A_94 = arith.constant 0 : i32
        %cond3A_95 = arith.cmpi ne, %convert_element_type3A_93, %cond3A_94 : i32
        scf.if %cond3A_95 {
          %dma_wait3A_96 = arith.constant 0 : i32
          %dma_wait3A_97 = tpu.memref_slice %arg6[%dma_wait3A_96] : memref<6400000xi32, #tpu.memory_space<hbm>> -> memref<5120xi32, #tpu.memory_space<hbm>>
          %dma_wait3A_98 = arith.constant 0 : i32
          %dma_wait3A_99 = tpu.memref_slice %arg6[%dma_wait3A_98] : memref<6400000xi32, #tpu.memory_space<hbm>> -> memref<5120xi32, #tpu.memory_space<hbm>>
          tpu.wait_dma2 semaphore(%run_scoped3A_40 : memref<!tpu.dma_semaphore, #tpu.memory_space<semaphore_mem>>) src(%run_scoped3A_35 : memref<5120xi32, #tpu.memory_space<vmem>>) dst(%dma_wait3A_99 : memref<5120xi32, #tpu.memory_space<hbm>>)
        } else {
        }
        tpu.yield
      }) : () -> ()
    } else {
    }
    return
  }
}

</mosaic_0001>

<sc_bundles>
// kernel: kernel.3.cloned.1.call-start
scs
__scs_entry_jumppad:
0x0: {  	(pc) =	sbr.rel $0x88, $3  }
0x1: {  	(tag) =	ssettag $0x0;
	lr =	simm.s32 $0x1  }
0x2: {  	[smem:$0x3F9E] =	sst lr;
	_ =	strace $0xD0000000  }
0x3: {  	_ = 	snop  }
0x4: {  	_ = 	snop  }
0x5: {  	_ = 	snop  }
0x6: {  	_ = 	snop  }
0x7: {  	_ = 	snop  }
__scs_overlays_trampoline_lowered:
0x8: {  	[smem:$0x3FAD] =	sst s0  }
0x9: {  	[smem:$0x3FAE] =	sst s1  }
0xa: {  	[smem:$0x3FAF] =	sst s2  }
0xb: {  	[smem:$0x3FB0] =	sst s3  }
0xc: {  	[smem:$0x3FB1] =	sst s4  }
0xd: {  	[smem:$0x3FB2] =	sst s5  }
0xe: {  	[smem:$0x3FB3] =	sst s6  }
0xf: {  	[smem:$0x3FB4] =	sst s7  }
0x10: {  	[smem:$0x3FB5] =	sst s8  }
0x11: {  	[smem:$0x3FB6] =	sst s9;
	s0 =	simm.s32 @!p0 $0x0  }
0x12: {  	s1 =	sld [smem:$0x3F9C];
	s0 =	simm.s32 @p0 $0x1  }
0x13: {  	[smem:$0x3FB7] =	sst s0;
	s0 =	simm.s32 @!p1 $0x0  }
0x14: {  	s2 =	sld [smem:$0x3F9B];
	s0 =	simm.s32 @p1 $0x1  }
0x15: {  	[smem:$0x3FB8] =	sst s0;
	s0 =	simm.s32 @!p2 $0x0  }
0x16: {  	s3 =	sld [smem:$0x3FDB];
	s0 =	simm.s32 @p2 $0x1  }
0x17: {  	s4 =	simm.s32 $0x1BF5;
	[smem:$0x3FBA] =	sst s0  }
0x18: {  	s0 =	sld [smem:$0x3F9D];
	_ =	swait.ge [sflag:s4], $0x0  }
0x19: {  	s7 =	sld [smem:$0x3F9E]  }
0x1a: {  	s8 =	sadd.s32 $0xFFFFE003, lr  }
0x1b: {  	s9 =	sadd.s32 $0xFFFFFEF7, lr;
	s5 =	simm.s32 $0xFFFFFFFF;
	p2 =	slt.u32 s8, $0xFFFFF086  }
0x1c: {  	p1 =	slt.u32 s9, $0xF7A;
	s5 =	simm.s32 @!p2 $0x0  }
0x1d: {  	s5 =	simm.s32 @p1 $0x1;
	p0 =	seq.s32 s7, s2  }
0x1e: {  	s7 =	smul.u32 @!p0 $0xF7A, s2;
	p2 =	seq.s32 @!p0 s5, $0x0  }
0x1f: {  	s9 =	smul.u32 $0xF7A, s1;
	s8 =	simm.s32 @!p0 $0x1BF5;
	p2 =	por !p2, p0  }
0x20: {  	[sflag:s8] =	ssyncset.s32 @!p0 $0xFFFFF086;
	s6 =	sadd.s32 @!p0 s3, s7;
	s7 =	simm.s32 @!p0 $0x108  }
0x21: {  	s3 =	sadd.s32 s3, s9;
	s6 =	sadd.s32 @!p0 $0x88, s6;
	s7 =	simm.s32 @p2 $0x1082  }
0x22: {  	[simem:s7], [sflag:s8] =	dma.local @!p0 [hbm:s6], $0xF7A  }
0x23: {  	s9 =	sor.u32 $0xD0000000, s2;
	s6 =	simm.s32 $0x108;
	_ =	swait.ge @!p0 [sflag:s8], $0x0  }
0x24: {  	s3 =	sadd.s32 $0x88, s3;
	s6 =	simm.s32 @!p1 $0x1082;
	[sflag:s4] =	ssyncset.s32 $0xFFFFF086  }
0x25: {  	[simem:s6], [sflag:s4] =	dma.local [hbm:s3], $0xF7A  }
0x26: {  	[smem:$0x3F9E] =	sst s1;
	(tag) =	ssettag s2;
	_ =	strace s9  }
0x27: {  	s1 =	sld [smem:$0x3FAE]  }
0x28: {  	s2 =	sld [smem:$0x3FAF]  }
0x29: {  	s4 =	sld [smem:$0x3FB1]  }
0x2a: {  	p0 =	seq.s32 s5, $0x0;
	s5 =	sld [smem:$0x3FB2]  }
0x2b: {  	s6 =	sld [smem:$0x3FB3]  }
0x2c: {  	s7 =	sld [smem:$0x3FB4]  }
0x2d: {  	s3 =	simm.s32 $0x108;
	s8 =	sld [smem:$0x3FB5]  }
0x2e: {  	s3 =	simm.s32 @!p0 $0x1082;
	s9 =	sld [smem:$0x3FB6]  }
0x2f: {  	lr =	sadd.s32 s0, s3;
	s0 =	sld [smem:$0x3FAD]  }
0x30: {  	s3 =	sld [smem:$0x3FB0]  }
0x31: {  	[smem:$0x3FB9] =	sst s10  }
0x32: {  	s10 =	sld [smem:$0x3FB7];
	_ =	sdelay $0x3  }
0x33: {  	p0 =	seq.s32 s10, $0x1;
	s10 =	sld [smem:$0x3FB9];
	_ =	sdelay $0x3  }
0x34: {  	[smem:$0x3FB9] =	sst s10  }
0x35: {  	s10 =	sld [smem:$0x3FB8];
	_ =	sdelay $0x3  }
0x36: {  	p1 =	seq.s32 s10, $0x1;
	s10 =	sld [smem:$0x3FB9];
	_ =	sdelay $0x3  }
0x37: {  	[smem:$0x3FB9] =	sst s10  }
0x38: {  	s10 =	sld [smem:$0x3FBA]  }
0x39: {  	_ = 	snop;
	(pc) =	sbr.ind lr, $3  }
0x3a: {  	_ = 	snop  }
0x3b: {  	_ = 	snop  }
0x3c: {  	p2 =	seq.s32 s10, $0x1;
	s10 =	sld [smem:$0x3FB9]  }
0x3d: {  	_ =	shalt  }
0x3e: {  	_ =	shalt  }
0x3f: {  	_ =	shalt  }
0x40: {  	_ =	shalt  }
0x41: {  	_ =	shalt  }
0x42: {  	_ =	shalt  }
0x43: {  	_ =	shalt  }
0x44: {  	_ =	shalt  }
0x45: {  	_ =	shalt  }
0x46: {  	_ =	shalt  }
0x47: {  	_ =	shalt  }
0x48: {  	_ =	shalt  }
0x49: {  	_ =	shalt  }
0x4a: {  	_ =	shalt  }
0x4b: {  	_ =	shalt  }
0x4c: {  	_ =	shalt  }
0x4d: {  	_ =	shalt  }
0x4e: {  	_ =	shalt  }
0x4f: {  	_ =	shalt  }
0x50: {  	_ =	shalt  }
0x51: {  	_ =	shalt  }
0x52: {  	_ =	shalt  }
0x53: {  	_ =	shalt  }
0x54: {  	_ =	shalt  }
0x55: {  	_ =	shalt  }
0x56: {  	_ =	shalt  }
0x57: {  	_ =	shalt  }
0x58: {  	_ =	shalt  }
0x59: {  	_ =	shalt  }
0x5a: {  	_ =	shalt  }
0x5b: {  	_ =	shalt  }
0x5c: {  	_ =	shalt  }
0x5d: {  	_ =	shalt  }
0x5e: {  	_ =	shalt  }
0x5f: {  	_ =	shalt  }
0x60: {  	_ =	shalt  }
0x61: {  	_ =	shalt  }
0x62: {  	_ =	shalt  }
0x63: {  	_ =	shalt  }
0x64: {  	_ =	shalt  }
0x65: {  	_ =	shalt  }
0x66: {  	_ =	shalt  }
0x67: {  	_ =	shalt  }
0x68: {  	_ =	shalt  }
0x69: {  	_ =	shalt  }
0x6a: {  	_ =	shalt  }
0x6b: {  	_ =	shalt  }
0x6c: {  	_ =	shalt  }
0x6d: {  	_ =	shalt  }
0x6e: {  	_ =	shalt  }
0x6f: {  	_ =	shalt  }
0x70: {  	_ =	shalt  }
0x71: {  	_ =	shalt  }
0x72: {  	_ =	shalt  }
0x73: {  	_ =	shalt  }
0x74: {  	_ =	shalt  }
0x75: {  	_ =	shalt  }
0x76: {  	_ =	shalt  }
0x77: {  	_ =	shalt  }
0x78: {  	_ =	shalt  }
0x79: {  	_ =	shalt  }
0x7a: {  	_ =	shalt  }
0x7b: {  	_ =	shalt  }
0x7c: {  	_ =	shalt  }
0x7d: {  	_ =	shalt  }
0x7e: {  	_ =	shalt  }
0x7f: {  	_ =	shalt  }
0x80: {  	_ =	shalt  }
0x81: {  	_ =	shalt  }
0x82: {  	_ =	shalt  }
0x83: {  	_ =	shalt  }
0x84: {  	_ =	shalt  }
0x85: {  	_ =	shalt  }
0x86: {  	_ =	shalt  }
0x87: {  	_ =	shalt  }
.Lfunc_end0:
.L_simem_size_0:
called_computation.1_lowered:
.L_overlay_start_0:
0x88: {  	s2 =	sld [smem:$0x3FD9]  }
0x89: {  	s3 =	sld [smem:$0x3FFE];
	_ =	sdelay $0x1  }
0x8a: {  	s1 =	srdreg.scid  }
0x8b: {  	s0 =	sand.u32 $0x1, s1  }
0x8c: {  	s14 =	sshll.u32 s0, $0xA;
	s2 =	sadd.s32 s3, s2  }
0x8d: {  	s2 =	sadd.s32 s2, s14  }
0x8e: {  	[smem:$0x3FC5] =	sst s2  }
0x8f: {  	_ = 	snop  }
0x90: {  	s2 =	sld [smem:$0x3FD0];
	_ =	sdelay $0x2  }
0x91: {  	s4 =	simm.s32 $0xA;
	s5 =	simm.s32 $0x10;
	s15 =	sld [smem:$0x3FC8]  }
0x92: {  	[smem:s5], [sflag:s4] =	dma.local [hbm:s2], $0x1  }
0x93: {  	_ =	swait.eq [sflag:s4], $0x1  }
0x94: {  	[sflag:s4] =	ssyncset.done $0x0  }
0x95: {  	s16 =	sld [smem:$0x10];
	[sflag:s4] =	ssyncadd.s32 $0xFFFFFFFF  }
0x96: {  	s17 =	sld [smem:$0x11];
	(tm) =	ssettm $0x1  }
0x97: {  	s18 =	sld [smem:$0x3FFB];
	_ =	sdelay $0x3  }
0x98: {  	_ =	strace s18  }
0x99: {  	s5 =	sld [smem:$0x3FFC];
	_ =	sdelay $0x3  }
0x9a: {  	_ =	strace s5  }
0x9b: {  	s5 =	sld [smem:$0x3FFD];
	_ =	sdelay $0x3  }
0x9c: {  	_ =	strace s5  }
0x9d: {  	_ =	strace $0x8FFFFFFF  }
0x9e: {  	s19 =	sld [smem:$0x3FDB];
	_ =	sdelay $0x1  }
0x9f: {  	s6 =	simm.s32 $_scs_section_size  }
0xa0: {  	s7 =	simm.s32 $_size__tile_overlayer_lowered;
	s8 =	simm.s32 $_tile_overlayer_lowered  }
0xa1: {  	s22 =	simm.s32 $0x1BFF;
	s21 =	sshll.u32 s8, $0x1;
	s5 =	sadd.s32 s6, s19  }
0xa2: {  	s9 =	simm.s32 $0x0;
	s20 =	sshll.u32 s7, $0x1;
	s7 =	sadd.s32 s21, s5  }
0xa3: {  	[timem:s9], [sflag:s22] =	dma.local [hbm:s7], s20  }
0xa4: {  	_ =	swait.ge [sflag:s22], s20  }
0xa5: {  	s6 =	ssub.s32 $0x0, s20;
	[sflag:s22] =	ssyncset.done $0x0  }
0xa6: {  	[sflag:s22] =	ssyncadd.s32 s6;
	_ =	sdelay $0x1  }
0xa7: {  	s23 =	simm.s32 $0x1B8B  }
0xa8: {  	_ =	swait.ge [sflag:s23], $0x1  }
0xa9: {  	[sflag:s23] =	ssyncset.done $0x0  }
0xaa: {  	s25 =	simm.s32 $0x1B8E;
	s24 =	sld [smem:$0x3FFE];
	[sflag:s23] =	ssyncadd.s32 $0xFFFFFFFF  }
0xab: {  	s26 =	simm.s32 $execute0_lowered;
	[smem:$0x3FD2] =	sst s25  }
0xac: {  	s7 =	sshll.u32 s26, $0x1;
	_ =	strace $0x80000049;
	[dreg:$0x1] =	wrdreg $0xFFFFFFFF  }
0xad: {  	s28 =	simm.s32 $_size_execute0_lowered;
	s5 =	sadd.s32 s5, s7;
	[dreg:$0x0] =	wrdreg $0x0  }
0xae: {  	s7 =	sshll.u32 s28, $0x1;
	[dreg:$0x2] =	wrdreg s5  }
0xaf: {  	[dreg:$0x3] =	wrdreg s7  }
0xb0: {  	[dreg:$0x4] =	wrdreg $0xC0  }
0xb1: {  	_ =	task [dreg:s9], $0x5FFFF  }
0xb2: {  	[dreg:$0x1] =	wrdreg $0xFFFFFFFF  }
0xb3: {  	[dreg:$0x0] =	wrdreg $0x60  }
0xb4: {  	[dreg:$0x2] =	wrdreg s17  }
0xb5: {  	[dreg:$0x3] =	wrdreg s15  }
0xb6: {  	[dreg:$0x4] =	wrdreg s24  }
0xb7: {  	[dreg:$0x5] =	wrdreg s16  }
0xb8: {  	[dreg:$0x6] =	wrdreg $0x9  }
0xb9: {  	_ =	task.clear_ibuf [dreg:s9], $0x7FFFF;
	_ =	strace $0x90000049  }
0xba: {  	s29 =	simm.s32 $0x9;
	_ =	strace $0x8000004B  }
0xbb: {  	_ =	swait.ge [sflag:s29], $0x1  }
0xbc: {  	[sflag:s29] =	ssyncadd.s32 $0xFFFFFFFF  }
0xbd: {  	_ =	strace $0x9000004B  }
0xbe: {  	_ =	sfence  }
0xbf: {  	s30 =	sld [smem:$0x0];
	_ =	sdelay $0x2  }
0xc0: {  	s31 =	sshll.u32 s1, $0xD;
	s1 =	sshrl.u32 s1, $0x2  }
0xc1: {  	s3 =	sand.u32 $0x4000, s31;
	s1 =	sadd.s32 s1, s30  }
0xc2: {  	s0 =	sor.u32 s3, s0;
	s1 =	sshll.u32 s1, $0x11  }
0xc3: {  	s0 =	sor.u32 s1, s0  }
0xc4: {  	s0 =	sadd.s32 $0x8F2B, s0  }
0xc5: {  	[sflag:s0] =	ssyncadd.remote.s32 $0x1  }
0xc6: {  	_ =	sfence.sel $0xFFFF  }
0xc7: {  	[dreg:$0x0] =	wrdreg $0xFFFFFFFF;
	(pc) =	sbr.abs _section_cstart, $3  }
0xc8: {  	[dreg:$0x1] =	wrdreg $0xFFFFFFFF  }
0xc9: {  	_ =	task.clear_ibuf [dreg:s9], $0x2FFFF;
	_ =	strace $0x9FFFFFFF  }
0xca: {  	(tm) =	ssettm $0x7FFFFFFF  }
0xcb: {  	_ =	shalt  }
tec
execute0_lowered:
.L_overlay_start_1:
0x0: {  	(tag) =	ssettag $0x1  }
0x1: {  	s0 =	rddreg [dreg:$0x2]  }
0x2: {  	s4 =	rddreg [dreg:$0x3]  }
0x3: {  	s1 =	srdreg.scid;
	s17 =	stileid.u32;
	s5 =	simm.s32 $0x0  }
0x4: {  	s18 =	simm.s32 $0x18700;
	s19 =	simm.s32 $0x2;
	s20 =	simm.s32 $0x1B900  }
0x5: {  	s21 =	simm.s32 $0x3;
	s22 =	simm.s32 $0x1D200;
	s23 =	simm.s32 $0x4  }
0x6: {  	s24 =	simm.s32 $0x5;
	s28 =	simm.s32 $0x1EB00;
	s29 =	simm.s32 $0x0  }
0x7: {  	s1 =	sand.u32 $0x1, s1;
	s2 =	sshll.u32 s17, $0x1;
	[smem:$0x7FF] =	sst s5  }
0x8: {  	s8 =	sadd.s32 $0xA00, s0;
	s9 =	sadd.s32 $0x187400, s0;
	s6 =	sor.u32 s1, s2  }
0x9: {  	p0 =	sgt.u32 s17, $0x5;
	s7 =	sadd.s32 $0xFFFFFFF4, s6;
	s31 =	smul.u32 $0x320, s6  }
0xa: {  	s17 =	simm.s32 $0x1;
	s2 =	ssub.s32 $0x4ED, s6;
	s3 =	smul.u32 $0x1400, s7  }
0xb: {  	_ =	strace $0x8000004A;
	s1 =	ssub.s32 $0x2, s1;
	s26 =	smul.u32 $0xCCD, s2  }
.Ltmp0:
0xc: {  	s30 =	ssub.s32 $0x3E7, s6;
	s11 =	sshrl.u32 s1, $0x1;
	(pc) =	sbr.rel .LBB2_1-.Ltmp0, $4  }
0xd: {  	s2 =	smul.u32 $0x1556, s30;
	s1 =	ssub.s32 s1, s11;
	s14 =	sadd.s32 s8, s31  }
0xe: {  	s16 =	smax.u32 s1, $0x1;
	s3 =	sshrl.u32 s3, $0x3;
	s11 =	sshrl.u32 s26, $0x10  }
0xf: {  	s13 =	sshrl.u32 s2, $0x10;
	s10 =	sadd.s32 s8, s3;
	s0 =	sadd.s32 $0x2, s11  }
0x10: {  	v0 =	vimm.s32 $0x0;
	s26 =	simm.s32 $0x1D700;
	s12 =	sadd.s32 $0xC3500, s10;
	s15 =	sshrl.u32 s0, $0x1  }
.LBB2_19:
0x11: {  	_ =	swait.ge [sflag:s23], $0x1400  }
0x12: {  	[sflag:s23] =	ssyncset.done $0x0  }
0x13: {  	[sflag:s23] =	ssyncadd.s32 $0xFFFFEC00  }
0x14: {  	_ =	swait.ge [sflag:s24], $0x1400  }
0x15: {  	[sflag:s24] =	ssyncset.done $0x0  }
0x16: {  	[sflag:s24] =	ssyncadd.s32 $0xFFFFEC00  }
.LBB2_20:
0x17: {  	s29 =	sadd.s32 $0x1, s29  }
0x18: {  	p1 =	sne.s32 s29, s16  }
.Ltmp1:
0x19: {  	_ = 	snop;
	(pc) =	sbr.rel @!p1 .LBB2_21-.Ltmp1, $1  }
0x1a: {  	_ =	sdelay $0x3  }
.LBB2_1:
.Ltmp2:
0x1b: {  	(pc) =	sbr.rel @p0 .LBB2_11-.Ltmp2, $2  }
0x1c: {  	_ =	sdelay $0x2  }
0x1d: {  	s30 =	simm.s32 $0x0  }
0x1e: {  	s0 =	rddreg [dreg:$0x0]  }
0x1f: {  	[tilespmem:s30], [sflag:$0x1] =	stream.linear.gather [hbm4b:s0+s30], $0x18700, $0x38;
	[tilespmem:$0x1FF00] =	vst v63  }
.Ltmp3:
0x20: {  	_ = 	snop;
	(pc) =	sbr.rel .LBB2_3-.Ltmp3, $4  }
0x21: {  	_ =	swait.ge [sflag:s17], $0x18700  }
0x22: {  	[sflag:s17] =	ssyncset.done $0x0  }
0x23: {  	[sflag:s17] =	ssyncadd.s32 $0xFFFE7900  }
0x24: {  	[tilespmem:s18], [sflag:$0x2] =	stream.linear.gather [hbm4b:s14+s30], $0x1900, $0x38;
	[tilespmem:$0x1FF00] =	vst v63  }
.LBB2_9:
0x25: {  	s30 =	sadd.s32 $0x1, s30  }
0x26: {  	p1 =	sne.s32 s30, $0x2A  }
.Ltmp4:
0x27: {  	_ = 	snop;
	(pc) =	sbr.rel @!p1 .LBB2_10-.Ltmp4, $1  }
0x28: {  	_ =	sdelay $0x3  }
.LBB2_3:
0x29: {  	s0 =	sshll.u32 s30, $0x1  }
0x2a: {  	s31 =	sshllo.u32 s30, $0x1;
	p1 =	sge.u32 s0, s13  }
0x2b: {  	s1 =	smul.u32 @!p1 $0xC, s31;
	_ =	sdelay $0x1  }
0x2c: {  	s1 =	sadd.s32 @!p1 s6, s1  }
0x2d: {  	s1 =	smul.u32 @!p1 $0x320, s1;
	_ =	sdelay $0x1  }
0x2e: {  	s2 =	simm.s32 @!p1 $0x0;
	s3 =	simm.s32 @!p1 $0x1A000;
	s1 =	sadd.s32 @!p1 s8, s1  }
0x2f: {  	[tilespmem:s3], [sflag:$0x3] =	stream.linear.gather @!p1 [hbm4b:s1+s2], $0x1900, $0x38;
	[tilespmem:$0x1FF00] =	vst v63  }
0x30: {  	_ =	swait.ge [sflag:s19], $0x1900  }
0x31: {  	p2 =	seq.s32 s30, $0x0;
	[sflag:s19] =	ssyncset.done $0x0  }
0x32: {  	s1 =	simm.s32 @!p2 $0x4;
	[sflag:s19] =	ssyncadd.s32 $0xFFFFE700  }
0x33: {  	_ =	swait.ge @!p2 [sflag:s1], $0x1900  }
0x34: {  	[sflag:s1] =	ssyncset.done @!p2 $0x0  }
0x35: {  	s25 =	simm.s32 $0x18740;
	[sflag:s1] =	ssyncadd.s32 @!p2 $0xFFFFE700  }
0x36: {  	v1 =	vld [tilespmem:s25+$0x30]  }
0x37: {  	v2 =	vld [tilespmem:s25+$0xFFFFFFD0]  }
0x38: {  	v3 =	vld [tilespmem:s25+$0xFFFFFFE0]  }
0x39: {  	v4 =	vld [tilespmem:s25+$0xFFFFFFF0]  }
0x3a: {  	v7 =	vld [tilespmem:s25+$0x0]  }
0x3b: {  	v8 =	vld [tilespmem:s25+$0x10]  }
0x3c: {  	v9 =	vld [tilespmem:s25+$0x20]  }
0x3d: {  	v10 =	vld [tilespmem:s25+$0xFFFFFFC0]  }
0x3e: {  	v11 =	vld.idx.msk [tilespmem:v1+s5+$0x0], $0xffff  }
0x3f: {  	v12 =	vld.idx.msk [tilespmem:v2+s5+$0x0], $0xffff  }
0x40: {  	v6 =	vld.idx.msk [tilespmem:v3+s5+$0x0], $0xffff  }
0x41: {  	v5 =	vld.idx.msk [tilespmem:v4+s5+$0x0], $0xffff  }
0x42: {  	v4 =	vld.idx.msk [tilespmem:v7+s5+$0x0], $0xffff  }
0x43: {  	s1 =	simm.s32 $0x1B940;
	v2 =	vld.idx.msk [tilespmem:v8+s5+$0x0], $0xffff  }
0x44: {  	v1 =	vld.idx.msk [tilespmem:v9+s5+$0x0], $0xffff;
	[tilespmem:s1+$0x30] =	vst v11  }
0x45: {  	s2 =	simm.s32 $0x0;
	s3 =	simm.s32 $0x187C0;
	v3 =	vld.idx.msk [tilespmem:v10+s5+$0x0], $0xffff;
	[tilespmem:s1+$0xFFFFFFD0] =	vst v12  }
.LBB2_4:
0x46: {  	v7 =	vld [tilespmem:s3+$0x30];
	s2 =	sadd.s32 $0x80, s2;
	[tilespmem:s1+$0xFFFFFFE0] =	vst v6  }
0x47: {  	v6 =	vld [tilespmem:s3+$0xFFFFFFD0];
	p3 =	slt.u32 s2, $0x1880;
	[tilespmem:s1+$0xFFFFFFF0] =	vst v5  }
0x48: {  	v5 =	vld [tilespmem:s3+$0xFFFFFFE0];
	[tilespmem:s1+$0x0] =	vst v4  }
0x49: {  	v4 =	vld [tilespmem:s3+$0xFFFFFFF0];
	[tilespmem:s1+$0x10] =	vst v2  }
0x4a: {  	v2 =	vld [tilespmem:s3+$0x0];
	[tilespmem:s1+$0x20] =	vst v1  }
0x4b: {  	v1 =	vld [tilespmem:s3+$0x10];
	[tilespmem:s1+$0xFFFFFFC0] =	vst v3  }
0x4c: {  	v3 =	vld [tilespmem:s3+$0x20]  }
0x4d: {  	v8 =	vld [tilespmem:s3+$0xFFFFFFC0]  }
0x4e: {  	v7 =	vld.idx.msk [tilespmem:v7+s5+$0x0], $0xffff  }
0x4f: {  	v9 =	vld.idx.msk [tilespmem:v6+s5+$0x0], $0xffff  }
0x50: {  	v6 =	vld.idx.msk [tilespmem:v5+s5+$0x0], $0xffff  }
.Ltmp5:
0x51: {  	v5 =	vld.idx.msk [tilespmem:v4+s5+$0x0], $0xffff;
	(pc) =	sbr.rel @p3 .LBB2_4-.Ltmp5, $4  }
0x52: {  	v4 =	vld.idx.msk [tilespmem:v2+s5+$0x0], $0xffff  }
0x53: {  	s1 =	sadd.s32 $0x80, s1;
	v2 =	vld.idx.msk [tilespmem:v1+s5+$0x0], $0xffff  }
0x54: {  	v1 =	vld.idx.msk [tilespmem:v3+s5+$0x0], $0xffff;
	[tilespmem:s1+$0x30] =	vst v7  }
0x55: {  	s3 =	sadd.s32 $0x80, s3;
	v3 =	vld.idx.msk [tilespmem:v8+s5+$0x0], $0xffff;
	[tilespmem:s1+$0xFFFFFFD0] =	vst v9  }
0x56: {  	[tilespmem:s1+$0xFFFFFFE0] =	vst v6;
	s2 =	smul.u32 $0x18, s30;
	s0 =	sadd.s32 $0x2, s0  }
0x57: {  	[tilespmem:s1+$0xFFFFFFF0] =	vst v5;
	p3 =	sgt.u32 s0, s13  }
0x58: {  	[tilespmem:s1+$0x0] =	vst v4;
	s2 =	sadd.s32 s6, s2;
	s0 =	smul.u32 @!p3 $0xC, s0  }
0x59: {  	[tilespmem:s1+$0x10] =	vst v2;
	s2 =	smul.u32 $0x320, s2  }
.Ltmp6:
0x5a: {  	[tilespmem:s1+$0x20] =	vst v1;
	s0 =	sadd.s32 @!p3 s6, s0;
	(pc) =	sbr.rel @p1 .LBB2_9-.Ltmp6, $4  }
0x5b: {  	[tilespmem:s1+$0xFFFFFFC0] =	vst v3;
	s25 =	sadd.s32 s4, s2;
	s0 =	smul.u32 @!p3 $0x320, s0  }
0x5c: {  	[hbm4b:s25+s5] =	stream.linear.scatter [tilespmem:s20], [sflag:$0x4], $0x1900, $0x38;
	[tilespmem:$0x1FF00] =	vst v63  }
0x5d: {  	s1 =	simm.s32 @!p3 $0x0;
	s2 =	simm.s32 @!p3 $0x18700;
	s0 =	sadd.s32 @!p3 s8, s0  }
0x5e: {  	[tilespmem:s2], [sflag:$0x2] =	stream.linear.gather @!p3 [hbm4b:s0+s1], $0x1900, $0x38;
	[tilespmem:$0x1FF00] =	vst v63  }
0x5f: {  	_ =	swait.ge [sflag:s21], $0x1900  }
0x60: {  	[sflag:s21] =	ssyncset.done $0x0  }
0x61: {  	s0 =	simm.s32 @!p2 $0x5;
	[sflag:s21] =	ssyncadd.s32 $0xFFFFE700  }
0x62: {  	_ =	swait.ge @!p2 [sflag:s0], $0x1900  }
0x63: {  	[sflag:s0] =	ssyncset.done @!p2 $0x0  }
0x64: {  	s25 =	simm.s32 $0x1A040;
	[sflag:s0] =	ssyncadd.s32 @!p2 $0xFFFFE700  }
0x65: {  	v1 =	vld [tilespmem:s25+$0x30]  }
0x66: {  	v2 =	vld [tilespmem:s25+$0xFFFFFFD0]  }
0x67: {  	v3 =	vld [tilespmem:s25+$0xFFFFFFE0]  }
0x68: {  	v4 =	vld [tilespmem:s25+$0xFFFFFFF0]  }
0x69: {  	v7 =	vld [tilespmem:s25+$0x0]  }
0x6a: {  	v8 =	vld [tilespmem:s25+$0x10]  }
0x6b: {  	v9 =	vld [tilespmem:s25+$0x20]  }
0x6c: {  	v10 =	vld [tilespmem:s25+$0xFFFFFFC0]  }
0x6d: {  	v11 =	vld.idx.msk [tilespmem:v1+s5+$0x0], $0xffff  }
0x6e: {  	v12 =	vld.idx.msk [tilespmem:v2+s5+$0x0], $0xffff  }
0x6f: {  	v6 =	vld.idx.msk [tilespmem:v3+s5+$0x0], $0xffff  }
0x70: {  	v5 =	vld.idx.msk [tilespmem:v4+s5+$0x0], $0xffff  }
0x71: {  	v3 =	vld.idx.msk [tilespmem:v7+s5+$0x0], $0xffff  }
0x72: {  	s0 =	simm.s32 $0x1D240;
	v2 =	vld.idx.msk [tilespmem:v8+s5+$0x0], $0xffff  }
0x73: {  	v1 =	vld.idx.msk [tilespmem:v9+s5+$0x0], $0xffff;
	[tilespmem:s0+$0x30] =	vst v11  }
0x74: {  	s1 =	simm.s32 $0x0;
	s2 =	simm.s32 $0x1A0C0;
	v4 =	vld.idx.msk [tilespmem:v10+s5+$0x0], $0xffff;
	[tilespmem:s0+$0xFFFFFFD0] =	vst v12  }
.LBB2_7:
0x75: {  	v7 =	vld [tilespmem:s2+$0x30];
	s1 =	sadd.s32 $0x80, s1;
	[tilespmem:s0+$0xFFFFFFE0] =	vst v6  }
0x76: {  	v6 =	vld [tilespmem:s2+$0xFFFFFFD0];
	p1 =	slt.u32 s1, $0x1880;
	[tilespmem:s0+$0xFFFFFFF0] =	vst v5  }
0x77: {  	v5 =	vld [tilespmem:s2+$0xFFFFFFE0];
	[tilespmem:s0+$0x0] =	vst v3  }
0x78: {  	v3 =	vld [tilespmem:s2+$0xFFFFFFF0];
	[tilespmem:s0+$0x10] =	vst v2  }
0x79: {  	v2 =	vld [tilespmem:s2+$0x0];
	[tilespmem:s0+$0x20] =	vst v1  }
0x7a: {  	v1 =	vld [tilespmem:s2+$0x10];
	[tilespmem:s0+$0xFFFFFFC0] =	vst v4  }
0x7b: {  	v4 =	vld [tilespmem:s2+$0x20]  }
0x7c: {  	v8 =	vld [tilespmem:s2+$0xFFFFFFC0]  }
0x7d: {  	v7 =	vld.idx.msk [tilespmem:v7+s5+$0x0], $0xffff  }
0x7e: {  	v9 =	vld.idx.msk [tilespmem:v6+s5+$0x0], $0xffff  }
0x7f: {  	v6 =	vld.idx.msk [tilespmem:v5+s5+$0x0], $0xffff  }
.Ltmp7:
0x80: {  	v5 =	vld.idx.msk [tilespmem:v3+s5+$0x0], $0xffff;
	(pc) =	sbr.rel @p1 .LBB2_7-.Ltmp7, $4  }
0x81: {  	v3 =	vld.idx.msk [tilespmem:v2+s5+$0x0], $0xffff  }
0x82: {  	s0 =	sadd.s32 $0x80, s0;
	v2 =	vld.idx.msk [tilespmem:v1+s5+$0x0], $0xffff  }
0x83: {  	v1 =	vld.idx.msk [tilespmem:v4+s5+$0x0], $0xffff;
	[tilespmem:s0+$0x30] =	vst v7  }
0x84: {  	s2 =	sadd.s32 $0x80, s2;
	v4 =	vld.idx.msk [tilespmem:v8+s5+$0x0], $0xffff;
	[tilespmem:s0+$0xFFFFFFD0] =	vst v9  }
0x85: {  	[tilespmem:s0+$0xFFFFFFE0] =	vst v6;
	s1 =	smul.u32 $0xC, s31  }
0x86: {  	[tilespmem:s0+$0xFFFFFFF0] =	vst v5  }
.Ltmp8:
0x87: {  	[tilespmem:s0+$0x0] =	vst v3;
	s1 =	sadd.s32 s6, s1;
	(pc) =	sbr.rel .LBB2_9-.Ltmp8, $4  }
0x88: {  	[tilespmem:s0+$0x10] =	vst v2;
	s1 =	smul.u32 $0x320, s1  }
0x89: {  	[tilespmem:s0+$0x20] =	vst v1  }
0x8a: {  	[tilespmem:s0+$0xFFFFFFC0] =	vst v4;
	s31 =	sadd.s32 s4, s1  }
0x8b: {  	[hbm4b:s31+s5] =	stream.linear.scatter [tilespmem:s22], [sflag:$0x5], $0x1900, $0x38;
	[tilespmem:$0x1FF00] =	vst v63  }
.LBB2_11:
0x8c: {  	s0 =	rddreg [dreg:$0x1]  }
0x8d: {  	[tilespmem:s30], [sflag:$0x1] =	stream.linear.gather [hbm4b:s0+s30], $0x18700, $0x38;
	[tilespmem:$0x1FF00] =	vst v63  }
0x8e: {  	_ =	swait.ge [sflag:s17], $0x18700  }
.Ltmp9:
0x8f: {  	[sflag:s17] =	ssyncset.done $0x0;
	(pc) =	sbr.rel .LBB2_12-.Ltmp9, $4  }
0x90: {  	[sflag:s17] =	ssyncadd.s32 $0xFFFE7900  }
0x91: {  	[tilespmem:s18], [sflag:$0x2] =	stream.linear.gather [hbm4b:s10+s30], $0x1400, $0x38;
	[tilespmem:$0x1FF00] =	vst v63  }
0x92: {  	s31 =	simm.s32 $0x1AF00  }
0x93: {  	[tilespmem:s31], [sflag:$0x2] =	stream.linear.gather [hbm4b:s12+s30], $0x1400, $0x38;
	[tilespmem:$0x1FF00] =	vst v63  }
.LBB2_17:
0x94: {  	s0 =	smul.u32 $0x14, s31  }
0x95: {  	v8 =	vsel vm0, $0x1, v0;
	[tilespmem:s1+$0xFFFFFFF0] =	vst v7;
	vm13 =	veq.s32 v1, v3  }
0x96: {  	vm14 =	veq.s32 v2, v5;
	[tilespmem:s1+$0xFFFFFFC0] =	vst v8;
	v1 =	vsel vm13, $0x1, v0;
	s0 =	sadd.s32 s7, s0  }
0x97: {  	vm15 =	veq.s32 v4, v6;
	[tilespmem:s1+$0x0] =	vst v1;
	v1 =	vsel vm14, $0x1, v0;
	s0 =	smul.u32 $0x280, s0  }
0x98: {  	[tilespmem:s1+$0x10] =	vst v1;
	v1 =	vsel vm15, $0x1, v0  }
0x99: {  	[tilespmem:s1+$0x20] =	vst v1;
	s0 =	sadd.s32 s9, s0  }
0x9a: {  	[hbm4b:s0+s5] =	stream.linear.scatter [tilespmem:s28], [sflag:$0x5], $0x1400, $0x38;
	[tilespmem:$0x1FF00] =	vst v63  }
.LBB2_18:
0x9b: {  	s30 =	sadd.s32 $0x1, s30  }
0x9c: {  	p1 =	sne.s32 s30, s15  }
.Ltmp10:
0x9d: {  	_ = 	snop;
	(pc) =	sbr.rel @!p1 .LBB2_19-.Ltmp10, $1  }
0x9e: {  	_ =	sdelay $0x3  }
.LBB2_12:
0x9f: {  	s0 =	sshll.u32 s30, $0x1  }
0xa0: {  	s31 =	sshllo.u32 s30, $0x1;
	p1 =	sge.u32 s0, s11  }
0xa1: {  	s1 =	smul.u32 @!p1 $0x14, s31;
	_ =	sdelay $0x1  }
0xa2: {  	s1 =	sadd.s32 @!p1 s7, s1  }
0xa3: {  	s1 =	smul.u32 @!p1 $0x1400, s1;
	_ =	sdelay $0x1  }
0xa4: {  	s1 =	sshrl.u32 @!p1 s1, $0x3  }
0xa5: {  	s2 =	simm.s32 @!p1 $0x0;
	s3 =	simm.s32 @!p1 $0x19B00;
	s1 =	sadd.s32 @!p1 s8, s1  }
0xa6: {  	[tilespmem:s3], [sflag:$0x3] =	stream.linear.gather @!p1 [hbm4b:s1+s2], $0x1400, $0x38;
	[tilespmem:$0x1FF00] =	vst v63  }
0xa7: {  	s1 =	sadd.s32 @!p1 $0xC3500, s1;
	s3 =	simm.s32 @!p1 $0x1C300  }
0xa8: {  	[tilespmem:s3], [sflag:$0x3] =	stream.linear.gather @!p1 [hbm4b:s1+s2], $0x1400, $0x38;
	[tilespmem:$0x1FF00] =	vst v63  }
0xa9: {  	_ =	swait.ge [sflag:s19], $0x1400  }
0xaa: {  	[sflag:s19] =	ssyncset.done $0x0  }
0xab: {  	[sflag:s19] =	ssyncadd.s32 $0xFFFFEC00  }
0xac: {  	_ =	swait.ge [sflag:s19], $0x1400  }
0xad: {  	p2 =	seq.s32 s30, $0x0;
	[sflag:s19] =	ssyncset.done $0x0  }
0xae: {  	s1 =	simm.s32 @!p2 $0x4;
	[sflag:s19] =	ssyncadd.s32 $0xFFFFEC00  }
0xaf: {  	_ =	swait.ge @!p2 [sflag:s1], $0x1400  }
0xb0: {  	[sflag:s1] =	ssyncset.done @!p2 $0x0  }
0xb1: {  	s25 =	simm.s32 $0x18740;
	[sflag:s1] =	ssyncadd.s32 @!p2 $0xFFFFEC00  }
0xb2: {  	s3 =	simm.s32 $0x1AF40;
	v1 =	vld [tilespmem:s25+$0x30]  }
0xb3: {  	v2 =	vld [tilespmem:s3+$0x30]  }
0xb4: {  	v3 =	vld [tilespmem:s3+$0xFFFFFFC0]  }
0xb5: {  	v4 =	vld [tilespmem:s25+$0xFFFFFFD0]  }
0xb6: {  	v5 =	vld [tilespmem:s3+$0xFFFFFFD0]  }
0xb7: {  	v6 =	vld [tilespmem:s25+$0xFFFFFFE0]  }
0xb8: {  	v7 =	vld [tilespmem:s3+$0xFFFFFFE0]  }
0xb9: {  	v8 =	vld [tilespmem:s25+$0xFFFFFFF0]  }
0xba: {  	v10 =	vld [tilespmem:s25+$0x0]  }
0xbb: {  	v11 =	vld [tilespmem:s3+$0x0]  }
0xbc: {  	v12 =	vld [tilespmem:s25+$0x10]  }
0xbd: {  	v13 =	vld [tilespmem:s3+$0x10]  }
0xbe: {  	v14 =	vld [tilespmem:s25+$0x20]  }
0xbf: {  	v15 =	vld [tilespmem:s3+$0x20]  }
0xc0: {  	v16 =	vld [tilespmem:s25+$0xFFFFFFC0]  }
0xc1: {  	v9 =	vld.idx.msk [tilespmem:v1+s5+$0x0], $0xffff  }
0xc2: {  	v2 =	vld.idx.msk [tilespmem:v2+s5+$0x0], $0xffff  }
0xc3: {  	v1 =	vld [tilespmem:s3+$0xFFFFFFF0]  }
0xc4: {  	v17 =	vld.idx.msk [tilespmem:v3+s5+$0x0], $0xffff  }
0xc5: {  	v3 =	vld.idx.msk [tilespmem:v4+s5+$0x0], $0xffff  }
0xc6: {  	v5 =	vld.idx.msk [tilespmem:v5+s5+$0x0], $0xffff  }
0xc7: {  	v6 =	vld.idx.msk [tilespmem:v6+s5+$0x0], $0xffff  }
0xc8: {  	v7 =	vld.idx.msk [tilespmem:v7+s5+$0x0], $0xffff  }
0xc9: {  	v8 =	vld.idx.msk [tilespmem:v8+s5+$0x0], $0xffff  }
0xca: {  	v16 =	vld.idx.msk [tilespmem:v16+s5+$0x0], $0xffff  }
0xcb: {  	v18 =	vld.idx.msk [tilespmem:v1+s5+$0x0], $0xffff  }
0xcc: {  	v4 =	vld.idx.msk [tilespmem:v11+s5+$0x0], $0xffff  }
0xcd: {  	vm0 =	veq.s32 v9, v2;
	v2 =	vld.idx.msk [tilespmem:v12+s5+$0x0], $0xffff  }
0xce: {  	s1 =	simm.s32 $0x1D740;
	v9 =	vsel vm0, $0x1, v0;
	vm0 =	veq.s32 v3, v5;
	v1 =	vld.idx.msk [tilespmem:v10+s5+$0x0], $0xffff  }
0xcf: {  	v5 =	vld.idx.msk [tilespmem:v13+s5+$0x0], $0xffff;
	[tilespmem:s1+$0x30] =	vst v9;
	v3 =	vsel vm0, $0x1, v0;
	vm0 =	veq.s32 v6, v7  }
0xd0: {  	[tilespmem:s1+$0xFFFFFFD0] =	vst v3;
	v6 =	vsel vm0, $0x1, v0;
	v3 =	vld.idx.msk [tilespmem:v14+s5+$0x0], $0xffff;
	vm1 =	veq.s32 v8, v18  }
0xd1: {  	s2 =	simm.s32 $0x0;
	s25 =	simm.s32 $0x187C0;
	vm0 =	veq.s32 v16, v17;
	[tilespmem:s1+$0xFFFFFFE0] =	vst v6;
	v6 =	vld.idx.msk [tilespmem:v15+s5+$0x0], $0xffff;
	v7 =	vsel vm1, $0x1, v0  }
.LBB2_13:
0xd2: {  	v8 =	vld [tilespmem:s25+$0x30];
	v9 =	vsel vm0, $0x1, v0;
	[tilespmem:s1+$0xFFFFFFF0] =	vst v7;
	s3 =	sadd.s32 $0x80, s3  }
0xd3: {  	s2 =	sadd.s32 $0x80, s2;
	vm0 =	veq.s32 v1, v4;
	v7 =	vld [tilespmem:s3+$0x30];
	[tilespmem:s1+$0xFFFFFFC0] =	vst v9  }
0xd4: {  	p3 =	slt.u32 s2, $0x1380;
	v4 =	vsel vm0, $0x1, v0;
	v1 =	vld [tilespmem:s3+$0xFFFFFFC0]  }
0xd5: {  	vm0 =	veq.s32 v2, v5;
	v9 =	vld [tilespmem:s25+$0xFFFFFFD0];
	[tilespmem:s1+$0x0] =	vst v4  }
0xd6: {  	v4 =	vsel vm0, $0x1, v0;
	v2 =	vld [tilespmem:s3+$0xFFFFFFD0]  }
0xd7: {  	vm0 =	veq.s32 v3, v6;
	v5 =	vld [tilespmem:s25+$0xFFFFFFE0];
	[tilespmem:s1+$0x10] =	vst v4  }
0xd8: {  	v4 =	vsel vm0, $0x1, v0;
	v3 =	vld [tilespmem:s3+$0xFFFFFFE0]  }
0xd9: {  	v6 =	vld [tilespmem:s25+$0xFFFFFFF0];
	[tilespmem:s1+$0x20] =	vst v4  }
0xda: {  	v4 =	vld.idx.msk [tilespmem:v8+s5+$0x0], $0xffff  }
0xdb: {  	v7 =	vld.idx.msk [tilespmem:v7+s5+$0x0], $0xffff  }
0xdc: {  	v8 =	vld [tilespmem:s3+$0xFFFFFFF0]  }
0xdd: {  	v10 =	vld [tilespmem:s25+$0x0]  }
0xde: {  	v11 =	vld [tilespmem:s3+$0x0]  }
0xdf: {  	v12 =	vld [tilespmem:s25+$0x10]  }
0xe0: {  	v13 =	vld [tilespmem:s3+$0x10]  }
0xe1: {  	vm0 =	veq.s32 v4, v7;
	v14 =	vld [tilespmem:s25+$0x20]  }
0xe2: {  	s1 =	sadd.s32 $0x80, s1;
	v4 =	vsel vm0, $0x1, v0;
	v15 =	vld [tilespmem:s3+$0x20]  }
0xe3: {  	v7 =	vld [tilespmem:s25+$0xFFFFFFC0];
	[tilespmem:s1+$0x30] =	vst v4  }
0xe4: {  	v16 =	vld.idx.msk [tilespmem:v1+s5+$0x0], $0xffff  }
0xe5: {  	v1 =	vld.idx.msk [tilespmem:v9+s5+$0x0], $0xffff  }
0xe6: {  	v2 =	vld.idx.msk [tilespmem:v2+s5+$0x0], $0xffff  }
0xe7: {  	v5 =	vld.idx.msk [tilespmem:v5+s5+$0x0], $0xffff  }
0xe8: {  	v3 =	vld.idx.msk [tilespmem:v3+s5+$0x0], $0xffff  }
0xe9: {  	v6 =	vld.idx.msk [tilespmem:v6+s5+$0x0], $0xffff  }
0xea: {  	v8 =	vld.idx.msk [tilespmem:v8+s5+$0x0], $0xffff  }
0xeb: {  	v7 =	vld.idx.msk [tilespmem:v7+s5+$0x0], $0xffff  }
0xec: {  	vm0 =	veq.s32 v1, v2;
	v1 =	vld.idx.msk [tilespmem:v10+s5+$0x0], $0xffff  }
.Ltmp11:
0xed: {  	v2 =	vsel vm0, $0x1, v0;
	v4 =	vld.idx.msk [tilespmem:v11+s5+$0x0], $0xffff;
	(pc) =	sbr.rel @p3 .LBB2_13-.Ltmp11, $4  }
0xee: {  	vm0 =	veq.s32 v5, v3;
	[tilespmem:s1+$0xFFFFFFD0] =	vst v2;
	v2 =	vld.idx.msk [tilespmem:v12+s5+$0x0], $0xffff  }
0xef: {  	v3 =	vsel vm0, $0x1, v0;
	v5 =	vld.idx.msk [tilespmem:v13+s5+$0x0], $0xffff  }
0xf0: {  	vm1 =	veq.s32 v6, v8;
	[tilespmem:s1+$0xFFFFFFE0] =	vst v3;
	v3 =	vld.idx.msk [tilespmem:v14+s5+$0x0], $0xffff  }
0xf1: {  	s25 =	sadd.s32 $0x80, s25;
	vm0 =	veq.s32 v7, v16;
	v7 =	vsel vm1, $0x1, v0;
	v6 =	vld.idx.msk [tilespmem:v15+s5+$0x0], $0xffff  }
0xf2: {  	s2 =	smul.u32 $0x28, s30;
	s0 =	sadd.s32 $0x2, s0  }
0xf3: {  	p3 =	sgt.u32 s0, s11  }
0xf4: {  	v8 =	vsel vm0, $0x1, v0;
	[tilespmem:s1+$0xFFFFFFF0] =	vst v7;
	vm13 =	veq.s32 v1, v4;
	s2 =	sadd.s32 s7, s2;
	s0 =	smul.u32 @!p3 $0x14, s0  }
0xf5: {  	[tilespmem:s1+$0xFFFFFFC0] =	vst v8;
	v1 =	vsel vm13, $0x1, v0;
	vm14 =	veq.s32 v2, v5;
	s2 =	smul.u32 $0x1400, s2  }
0xf6: {  	[tilespmem:s1+$0x0] =	vst v1;
	v1 =	vsel vm14, $0x1, v0;
	vm15 =	veq.s32 v3, v6  }
0xf7: {  	[tilespmem:s1+$0x10] =	vst v1;
	s0 =	sadd.s32 @!p3 s7, s0;
	v1 =	vsel vm15, $0x1, v0;
	s2 =	sshrl.u32 s2, $0x3  }
0xf8: {  	s0 =	smul.u32 @!p3 $0x1400, s0;
	[tilespmem:s1+$0x20] =	vst v1;
	s25 =	sadd.s32 s9, s2  }
0xf9: {  	[hbm4b:s25+s5] =	stream.linear.scatter [tilespmem:s26], [sflag:$0x4], $0x1400, $0x38;
	[tilespmem:$0x1FF00] =	vst v63  }
.Ltmp12:
0xfa: {  	s0 =	sshrl.u32 @!p3 s0, $0x3;
	(pc) =	sbr.rel @p1 .LBB2_18-.Ltmp12, $4  }
0xfb: {  	s1 =	simm.s32 @!p3 $0x0;
	s2 =	simm.s32 @!p3 $0x18700;
	s0 =	sadd.s32 @!p3 s8, s0  }
0xfc: {  	[tilespmem:s2], [sflag:$0x2] =	stream.linear.gather @!p3 [hbm4b:s0+s1], $0x1400, $0x38;
	[tilespmem:$0x1FF00] =	vst v63  }
0xfd: {  	s0 =	sadd.s32 @!p3 $0xC3500, s0;
	s2 =	simm.s32 @!p3 $0x1AF00  }
0xfe: {  	[tilespmem:s2], [sflag:$0x2] =	stream.linear.gather @!p3 [hbm4b:s0+s1], $0x1400, $0x38;
	[tilespmem:$0x1FF00] =	vst v63  }
0xff: {  	_ =	swait.ge [sflag:s21], $0x1400  }
0x100: {  	[sflag:s21] =	ssyncset.done $0x0  }
0x101: {  	[sflag:s21] =	ssyncadd.s32 $0xFFFFEC00  }
0x102: {  	_ =	swait.ge [sflag:s21], $0x1400  }
0x103: {  	[sflag:s21] =	ssyncset.done $0x0  }
0x104: {  	s0 =	simm.s32 @!p2 $0x5;
	[sflag:s21] =	ssyncadd.s32 $0xFFFFEC00  }
0x105: {  	_ =	swait.ge @!p2 [sflag:s0], $0x1400  }
0x106: {  	[sflag:s0] =	ssyncset.done @!p2 $0x0  }
0x107: {  	s1 =	simm.s32 $0x19B40;
	[sflag:s0] =	ssyncadd.s32 @!p2 $0xFFFFEC00  }
0x108: {  	s0 =	simm.s32 $0x1C340;
	v1 =	vld [tilespmem:s1+$0x30]  }
0x109: {  	v2 =	vld [tilespmem:s0+$0x30]  }
0x10a: {  	v3 =	vld [tilespmem:s0+$0xFFFFFFC0]  }
0x10b: {  	v4 =	vld [tilespmem:s1+$0xFFFFFFD0]  }
0x10c: {  	v5 =	vld [tilespmem:s0+$0xFFFFFFD0]  }
0x10d: {  	v6 =	vld [tilespmem:s1+$0xFFFFFFE0]  }
0x10e: {  	v7 =	vld [tilespmem:s0+$0xFFFFFFE0]  }
0x10f: {  	v8 =	vld [tilespmem:s1+$0xFFFFFFF0]  }
0x110: {  	v10 =	vld [tilespmem:s1+$0x0]  }
0x111: {  	v11 =	vld [tilespmem:s0+$0x0]  }
0x112: {  	v12 =	vld [tilespmem:s1+$0x10]  }
0x113: {  	v13 =	vld [tilespmem:s0+$0x10]  }
0x114: {  	v14 =	vld [tilespmem:s1+$0x20]  }
0x115: {  	v15 =	vld [tilespmem:s0+$0x20]  }
0x116: {  	v16 =	vld [tilespmem:s1+$0xFFFFFFC0]  }
0x117: {  	v9 =	vld.idx.msk [tilespmem:v1+s5+$0x0], $0xffff  }
0x118: {  	v2 =	vld.idx.msk [tilespmem:v2+s5+$0x0], $0xffff  }
0x119: {  	v1 =	vld [tilespmem:s0+$0xFFFFFFF0]  }
0x11a: {  	v17 =	vld.idx.msk [tilespmem:v3+s5+$0x0], $0xffff  }
0x11b: {  	v4 =	vld.idx.msk [tilespmem:v4+s5+$0x0], $0xffff  }
0x11c: {  	v5 =	vld.idx.msk [tilespmem:v5+s5+$0x0], $0xffff  }
0x11d: {  	v6 =	vld.idx.msk [tilespmem:v6+s5+$0x0], $0xffff  }
0x11e: {  	v7 =	vld.idx.msk [tilespmem:v7+s5+$0x0], $0xffff  }
0x11f: {  	v8 =	vld.idx.msk [tilespmem:v8+s5+$0x0], $0xffff  }
0x120: {  	v16 =	vld.idx.msk [tilespmem:v16+s5+$0x0], $0xffff  }
0x121: {  	v18 =	vld.idx.msk [tilespmem:v1+s5+$0x0], $0xffff  }
0x122: {  	v3 =	vld.idx.msk [tilespmem:v11+s5+$0x0], $0xffff  }
0x123: {  	vm0 =	veq.s32 v9, v2;
	v2 =	vld.idx.msk [tilespmem:v12+s5+$0x0], $0xffff  }
0x124: {  	s1 =	simm.s32 $0x1EB40;
	v9 =	vsel vm0, $0x1, v0;
	vm0 =	veq.s32 v4, v5;
	v1 =	vld.idx.msk [tilespmem:v10+s5+$0x0], $0xffff  }
0x125: {  	v5 =	vld.idx.msk [tilespmem:v13+s5+$0x0], $0xffff;
	[tilespmem:s1+$0x30] =	vst v9;
	v4 =	vsel vm0, $0x1, v0;
	vm0 =	veq.s32 v6, v7  }
0x126: {  	[tilespmem:s1+$0xFFFFFFD0] =	vst v4;
	v6 =	vsel vm0, $0x1, v0;
	v4 =	vld.idx.msk [tilespmem:v14+s5+$0x0], $0xffff;
	vm1 =	veq.s32 v8, v18  }
0x127: {  	s2 =	simm.s32 $0x0;
	s3 =	simm.s32 $0x19BC0;
	vm0 =	veq.s32 v16, v17;
	[tilespmem:s1+$0xFFFFFFE0] =	vst v6;
	v6 =	vld.idx.msk [tilespmem:v15+s5+$0x0], $0xffff;
	v7 =	vsel vm1, $0x1, v0  }
.LBB2_16:
0x128: {  	v8 =	vld [tilespmem:s3+$0x30];
	v9 =	vsel vm0, $0x1, v0;
	[tilespmem:s1+$0xFFFFFFF0] =	vst v7;
	s0 =	sadd.s32 $0x80, s0  }
0x129: {  	s2 =	sadd.s32 $0x80, s2;
	vm0 =	veq.s32 v1, v3;
	v7 =	vld [tilespmem:s0+$0x30];
	[tilespmem:s1+$0xFFFFFFC0] =	vst v9  }
0x12a: {  	p1 =	slt.u32 s2, $0x1380;
	v3 =	vsel vm0, $0x1, v0;
	v1 =	vld [tilespmem:s0+$0xFFFFFFC0]  }
0x12b: {  	vm0 =	veq.s32 v2, v5;
	v9 =	vld [tilespmem:s3+$0xFFFFFFD0];
	[tilespmem:s1+$0x0] =	vst v3  }
0x12c: {  	v3 =	vsel vm0, $0x1, v0;
	v2 =	vld [tilespmem:s0+$0xFFFFFFD0]  }
0x12d: {  	vm0 =	veq.s32 v4, v6;
	v5 =	vld [tilespmem:s3+$0xFFFFFFE0];
	[tilespmem:s1+$0x10] =	vst v3  }
0x12e: {  	v4 =	vsel vm0, $0x1, v0;
	v3 =	vld [tilespmem:s0+$0xFFFFFFE0]  }
0x12f: {  	v6 =	vld [tilespmem:s3+$0xFFFFFFF0];
	[tilespmem:s1+$0x20] =	vst v4  }
0x130: {  	v4 =	vld.idx.msk [tilespmem:v8+s5+$0x0], $0xffff  }
0x131: {  	v7 =	vld.idx.msk [tilespmem:v7+s5+$0x0], $0xffff  }
0x132: {  	v8 =	vld [tilespmem:s0+$0xFFFFFFF0]  }
0x133: {  	v10 =	vld [tilespmem:s3+$0x0]  }
0x134: {  	v11 =	vld [tilespmem:s0+$0x0]  }
0x135: {  	v12 =	vld [tilespmem:s3+$0x10]  }
0x136: {  	v13 =	vld [tilespmem:s0+$0x10]  }
0x137: {  	vm0 =	veq.s32 v4, v7;
	v14 =	vld [tilespmem:s3+$0x20]  }
0x138: {  	s1 =	sadd.s32 $0x80, s1;
	v4 =	vsel vm0, $0x1, v0;
	v15 =	vld [tilespmem:s0+$0x20]  }
0x139: {  	v7 =	vld [tilespmem:s3+$0xFFFFFFC0];
	[tilespmem:s1+$0x30] =	vst v4  }
0x13a: {  	v16 =	vld.idx.msk [tilespmem:v1+s5+$0x0], $0xffff  }
0x13b: {  	v1 =	vld.idx.msk [tilespmem:v9+s5+$0x0], $0xffff  }
0x13c: {  	v2 =	vld.idx.msk [tilespmem:v2+s5+$0x0], $0xffff  }
0x13d: {  	v4 =	vld.idx.msk [tilespmem:v5+s5+$0x0], $0xffff  }
0x13e: {  	v5 =	vld.idx.msk [tilespmem:v3+s5+$0x0], $0xffff  }
0x13f: {  	v6 =	vld.idx.msk [tilespmem:v6+s5+$0x0], $0xffff  }
0x140: {  	v8 =	vld.idx.msk [tilespmem:v8+s5+$0x0], $0xffff  }
0x141: {  	v7 =	vld.idx.msk [tilespmem:v7+s5+$0x0], $0xffff  }
0x142: {  	vm0 =	veq.s32 v1, v2;
	v1 =	vld.idx.msk [tilespmem:v10+s5+$0x0], $0xffff  }
.Ltmp13:
0x143: {  	v2 =	vsel vm0, $0x1, v0;
	v3 =	vld.idx.msk [tilespmem:v11+s5+$0x0], $0xffff;
	(pc) =	sbr.rel @p1 .LBB2_16-.Ltmp13, $4  }
0x144: {  	vm0 =	veq.s32 v4, v5;
	[tilespmem:s1+$0xFFFFFFD0] =	vst v2;
	v2 =	vld.idx.msk [tilespmem:v12+s5+$0x0], $0xffff  }
0x145: {  	v4 =	vsel vm0, $0x1, v0;
	v5 =	vld.idx.msk [tilespmem:v13+s5+$0x0], $0xffff  }
0x146: {  	vm1 =	veq.s32 v6, v8;
	[tilespmem:s1+$0xFFFFFFE0] =	vst v4;
	v4 =	vld.idx.msk [tilespmem:v14+s5+$0x0], $0xffff  }
0x147: {  	s3 =	sadd.s32 $0x80, s3;
	vm0 =	veq.s32 v7, v16;
	v7 =	vsel vm1, $0x1, v0;
	v6 =	vld.idx.msk [tilespmem:v15+s5+$0x0], $0xffff  }
.Ltmp14:
0x148: {  	_ = 	snop;
	(pc) =	sbr.rel .LBB2_17-.Ltmp14, $1  }
0x149: {  	_ =	sdelay $0x3  }
.LBB2_10:
0x14a: {  	_ =	swait.ge [sflag:s23], $0x1900  }
.Ltmp15:
0x14b: {  	[sflag:s23] =	ssyncset.done $0x0;
	(pc) =	sbr.rel .LBB2_20-.Ltmp15, $4  }
0x14c: {  	[sflag:s23] =	ssyncadd.s32 $0xFFFFE700  }
0x14d: {  	_ =	swait.ge [sflag:s24], $0x1900  }
0x14e: {  	[sflag:s24] =	ssyncset.done $0x0  }
0x14f: {  	[sflag:s24] =	ssyncadd.s32 $0xFFFFE700  }
.LBB2_21:
0x150: {  	_ =	sfence.sel $0x180000  }
0x151: {  	[bflag:$0x0] =	sbarrier.arrive $0xFFFF  }
0x152: {  	_ =	strace $0x9000004A  }
0x153: {  	s0 =	stileid.u32;
	[bflag:$0x2] =	sbarrier.arrive $0xFFFF  }
0x154: {  	p0 =	sne.s32 s0, $0x0;
	s0 =	rddreg [dreg:$0x4]  }
0x155: {  	s0 =	sadd.s32 @!p0 $0x100000, s0  }
0x156: {  	[sflag:s0] =	ssyncadd.tile.s32 @!p0 $0x1;
	_ =	shalt  }
.Lfunc_end2:
_tile_overlayer_lowered:
.L_overlay_start_2:
0x157: {  	(tag) =	ssettag $0x2  }
0x158: {  	s0 =	rddreg [dreg:$0x0];
	s2 =	stileid.u32  }
0x159: {  	s1 =	rddreg [dreg:$0x1];
	p0 =	sne.s32 s2, $0x0  }
0x15a: {  	s3 =	rddreg [dreg:$0x2];
	[bflag:$0x3] =	sbarrier.arrive $0xFFFF;
	s2 =	simm.s32 @!p0 $0x1C01  }
0x15b: {  	[timem:s3], [sflag:s2] =	dma.local @!p0 [hbm:s0], s1  }
0x15c: {  	s0 =	simm.s32 @!p0 $0x1  }
0x15d: {  	_ =	swait.ge @!p0 [sflag:s0], s1  }
0x15e: {  	s1 =	ssub.s32 @!p0 $0x0, s1;
	[sflag:s0] =	ssyncset.done @!p0 $0x0  }
0x15f: {  	[sflag:s0] =	ssyncadd.s32 @!p0 s1  }
0x160: {  	[bflag:$0x3] =	sbarrier.arrive $0xFFFF  }
0x161: {  	_ =	shalt  }

// kernel: sparse-core-data-format-call.cloned.1.call-start
scs
called_computation_lowered:
.L_overlay_start_0:
0x0: {  	s2 =	sld [smem:$0x3FD9]  }
0x1: {  	s3 =	sld [smem:$0x3FFE];
	_ =	sdelay $0x1  }
0x2: {  	s1 =	srdreg.scid  }
0x3: {  	s0 =	sand.u32 $0x1, s1  }
0x4: {  	s18 =	sshll.u32 s0, $0xA;
	s2 =	sadd.s32 s3, s2  }
0x5: {  	s2 =	sadd.s32 s2, s18  }
0x6: {  	[smem:$0x3FC5] =	sst s2  }
0x7: {  	_ = 	snop  }
0x8: {  	s2 =	sld [smem:$0x3FC7];
	(tm) =	ssettm $0x1  }
0x9: {  	s19 =	sld [smem:$0x3FFB];
	_ =	sdelay $0x3  }
0xa: {  	_ =	strace s19  }
0xb: {  	s3 =	sld [smem:$0x3FFC];
	_ =	sdelay $0x3  }
0xc: {  	_ =	strace s3  }
0xd: {  	s3 =	sld [smem:$0x3FFD];
	_ =	sdelay $0x3  }
0xe: {  	_ =	strace s3  }
0xf: {  	_ =	strace $0x8FFFFFFF  }
0x10: {  	s20 =	sld [smem:$0x3FDB];
	_ =	sdelay $0x1  }
0x11: {  	s4 =	simm.s32 $_scs_section_size  }
0x12: {  	s5 =	simm.s32 $_size__tile_overlayer_lowered;
	s6 =	simm.s32 $_tile_overlayer_lowered  }
0x13: {  	s23 =	simm.s32 $0x1BFF;
	s22 =	sshll.u32 s6, $0x1;
	s3 =	sadd.s32 s4, s20  }
0x14: {  	s7 =	simm.s32 $0x0;
	s21 =	sshll.u32 s5, $0x1;
	s5 =	sadd.s32 s22, s3  }
0x15: {  	[timem:s7], [sflag:s23] =	dma.local [hbm:s5], s21  }
0x16: {  	_ =	swait.ge [sflag:s23], s21  }
0x17: {  	s4 =	ssub.s32 $0x0, s21;
	[sflag:s23] =	ssyncset.done $0x0  }
0x18: {  	[sflag:s23] =	ssyncadd.s32 s4;
	_ =	sdelay $0x1  }
0x19: {  	s24 =	simm.s32 $0x1B8B  }
0x1a: {  	_ =	swait.ge [sflag:s24], $0x1  }
0x1b: {  	[sflag:s24] =	ssyncset.done $0x0  }
0x1c: {  	s26 =	simm.s32 $0x1B8E;
	s25 =	sld [smem:$0x3FFE];
	[sflag:s24] =	ssyncadd.s32 $0xFFFFFFFF  }
0x1d: {  	s27 =	simm.s32 $execute0_lowered;
	[smem:$0x3FD2] =	sst s26  }
0x1e: {  	s5 =	sshll.u32 s27, $0x1;
	_ =	strace $0x80000046;
	[dreg:$0x1] =	wrdreg $0xFFFFFFFF  }
0x1f: {  	s28 =	simm.s32 $_size_execute0_lowered;
	s3 =	sadd.s32 s3, s5;
	[dreg:$0x0] =	wrdreg $0x0  }
0x20: {  	s5 =	sshll.u32 s28, $0x1;
	[dreg:$0x2] =	wrdreg s3  }
0x21: {  	[dreg:$0x3] =	wrdreg s5  }
0x22: {  	[dreg:$0x4] =	wrdreg $0xC0  }
0x23: {  	_ =	task [dreg:s7], $0x5FFFF  }
0x24: {  	[dreg:$0x1] =	wrdreg $0xFFFFFFFF  }
0x25: {  	[dreg:$0x0] =	wrdreg $0x60  }
0x26: {  	[dreg:$0x2] =	wrdreg s2  }
0x27: {  	[dreg:$0x3] =	wrdreg s25  }
0x28: {  	[dreg:$0x4] =	wrdreg $0x9  }
0x29: {  	_ =	task.clear_ibuf [dreg:s7], $0x5FFFF;
	_ =	strace $0x90000046  }
0x2a: {  	s29 =	simm.s32 $0x9;
	_ =	strace $0x80000048  }
0x2b: {  	_ =	swait.ge [sflag:s29], $0x1  }
0x2c: {  	[sflag:s29] =	ssyncadd.s32 $0xFFFFFFFF  }
0x2d: {  	_ =	strace $0x90000048  }
0x2e: {  	_ =	sfence  }
0x2f: {  	s30 =	sld [smem:$0x0];
	_ =	sdelay $0x2  }
0x30: {  	s31 =	sshll.u32 s1, $0xD;
	s1 =	sshrl.u32 s1, $0x2  }
0x31: {  	s3 =	sand.u32 $0x4000, s31;
	s1 =	sadd.s32 s1, s30  }
0x32: {  	s0 =	sor.u32 s3, s0;
	s1 =	sshll.u32 s1, $0x11  }
0x33: {  	s0 =	sor.u32 s1, s0  }
0x34: {  	s0 =	sadd.s32 $0x8F2B, s0  }
0x35: {  	[sflag:s0] =	ssyncadd.remote.s32 $0x1  }
0x36: {  	_ =	sfence.sel $0xFFFF  }
0x37: {  	[dreg:$0x0] =	wrdreg $0xFFFFFFFF;
	(pc) =	sbr.abs _section_cstart, $3  }
0x38: {  	[dreg:$0x1] =	wrdreg $0xFFFFFFFF  }
0x39: {  	_ =	task.clear_ibuf [dreg:s7], $0x2FFFF;
	_ =	strace $0x9FFFFFFF  }
0x3a: {  	(tm) =	ssettm $0x7FFFFFFF  }
0x3b: {  	_ =	shalt  }
tec
execute0_lowered:
.L_overlay_start_1:
0x0: {  	(tag) =	ssettag $0x1  }
0x1: {  	s0 =	stileid.u32;
	s7 =	rddreg [dreg:$0x0]  }
0x2: {  	s1 =	srdreg.scid;
	s4 =	rddreg [dreg:$0x1]  }
0x3: {  	s30 =	simm.s32 $0x2;
	s10 =	simm.s32 $0x0;
	s14 =	simm.s32 $0x0  }
0x4: {  	s15 =	simm.s32 $0x0;
	s11 =	simm.s32 $0x0;
	s13 =	simm.s32 $0x0  }
0x5: {  	s2 =	sand.u32 $0x1, s1;
	s3 =	sshll.u32 s0, $0x7;
	s1 =	rddreg [dreg:$0x2]  }
0x6: {  	_ =	strace $0x80000047;
	s5 =	ssub.s32 $0xC300, s3;
	s6 =	ssub.s32 $0x2, s2  }
.Ltmp0:
0x7: {  	s5 =	sshrl.u32 s5, $0xB;
	s8 =	sshrl.u32 s6, $0x1;
	(pc) =	sbr.rel .LBB1_1-.Ltmp0, $4  }
0x8: {  	s4 =	sadd.s32 $0xA00, s4;
	s9 =	sadd.s32 $0x1, s5;
	s6 =	ssub.s32 s6, s8  }
0x9: {  	s31 =	sshll.u32 s2, $0x4;
	s5 =	simm.s32 $0x1;
	s6 =	smul.u32 s9, s6  }
0xa: {  	s12 =	smov.u32 s3;
	s7 =	sadd.s32 s7, s31;
	[sflag:s5] =	ssyncpa.u1 $0x0  }
0xb: {  	s9 =	simm.s32 $0x0;
	[sflag:s30] =	ssyncpa.u1 $0x0;
	s8 =	sadd.s32 $0x1, s6  }
.LBB1_4:
0xc: {  	s21 =	simm.s32 $0x0  }
.LBB1_8:
0xd: {  	_ =	sdelay $0x3  }
0xe: {  	v6 =	vld [tilespmem:s18+$0xFFFFFFC0];
	[tilespmem:v0+s20+$0x30 ss:$0x1] =	vst.idx.msk @p0 $0xffff, v2  }
0xf: {  	v58 =	vld [tilespmem:s18+$0xFFFFFFD0];
	[tilespmem:v0+s20+$0x40 ss:$0x1] =	vst.idx.msk @p0 $0xffff, v3;
	s21 =	sadd.s32 @p0 $0x80, s21  }
0x10: {  	v59 =	vld [tilespmem:s18+$0xFFFFFFE0];
	[tilespmem:v0+s20+$0x50 ss:$0x1] =	vst.idx.msk @p0 $0xffff, v5;
	s19 =	smov.u32 @p0 s21  }
0x11: {  	v60 =	vld [tilespmem:s18+$0xFFFFFFF0];
	[tilespmem:v0+s20+$0x60 ss:$0x1] =	vst.idx.msk @p0 $0xffff, v4;
	s19 =	sand.u32 $0x3F80, s19  }
0x12: {  	v61 =	vld [tilespmem:s18+$0x0];
	[tilespmem:v0+s19+$0x70 ss:$0x1] =	vst.idx.msk $0xffff, v1  }
0x13: {  	v62 =	vld [tilespmem:s18+$0x10];
	[tilespmem:v0+s19+$0x0 ss:$0x1] =	vst.idx.msk $0xffff, v6  }
0x14: {  	v63 =	vld [tilespmem:s18+$0x20];
	[tilespmem:v0+s19+$0x10 ss:$0x1] =	vst.idx.msk $0xffff, v58  }
0x15: {  	[tilespmem:v0+s19+$0x20 ss:$0x1] =	vst.idx.msk $0xffff, v59  }
0x16: {  	[tilespmem:v0+s19+$0x30 ss:$0x1] =	vst.idx.msk $0xffff, v60  }
0x17: {  	[tilespmem:v0+s19+$0x40 ss:$0x1] =	vst.idx.msk $0xffff, v61  }
0x18: {  	[tilespmem:v0+s19+$0x50 ss:$0x1] =	vst.idx.msk $0xffff, v62  }
0x19: {  	[tilespmem:v0+s19+$0x60 ss:$0x1] =	vst.idx.msk $0xffff, v63  }
.LBB1_9:
0x1a: {  	s18 =	sand.u32 $0x1FFFFFF, s11  }
0x1b: {  	s19 =	smulhi.u32 $0x14F8B59, s18;
	_ =	sdelay $0x1  }
0x1c: {  	s19 =	sshrl.u32 s19, $0x8  }
0x1d: {  	s19 =	smul.u32 $0xC350, s19  }
0x1e: {  	s15 =	smul.u32 $0xC3500, s15  }
0x1f: {  	s18 =	ssub.s32 s18, s19  }
0x20: {  	s15 =	sadd.s32 s4, s15;
	s18 =	sshll.u32 s18, $0x4  }
0x21: {  	s15 =	sadd.s32 s18, s15  }
0x22: {  	[hbm4b:s15+s9] =	stream.linear.scatter [tilespmem:s17], [sflag:$0x2], s16, $0x38;
	[tilespmem:$0x10000] =	vst v63  }
.LBB1_10:
0x23: {  	p0 =	slt.u32 s13, $0x2  }
0x24: {  	p1 =	sgt.s32 @!p0 s14, $0xC2D0  }
0x25: {  	s15 =	smov.u32 s14;
	s16 =	sshra.s32 @!p0 s14, $0x1F;
	p1 =	por !p1, p0  }
0x26: {  	s14 =	sand.u32 @!p0 s16, s14;
	s15 =	simm.s32 @p1 $0xC2D0  }
0x27: {  	s14 =	ssub.s32 @!p0 s15, s14  }
0x28: {  	s14 =	sadd.s32 @!p0 $0xFFFF3D30, s14  }
0x29: {  	s15 =	sshll.u32 @!p0 s14, $0x7  }
0x2a: {  	p1 =	sgt.s32 @!p0 s14, $0x7F;
	s14 =	ssub.s32 @!p0 $0x4000, s15  }
0x2b: {  	s16 =	sadd.s32 $0x800, s12;
	p1 =	por !p1, p0;
	s14 =	sand.u32 @!p0 $0x3FFFFF80, s14  }
0x2c: {  	s14 =	simm.s32 @!p1 $0x0;
	p1 =	sgt.s32 s16, $0xC34F  }
0x2d: {  	s16 =	smov.u32 @p1 s3;
	p1 =	sne.s32 s13, s8  }
.Ltmp1:
0x2e: {  	_ = 	snop;
	(pc) =	sbr.rel @!p1 .LBB1_11-.Ltmp1, $4  }
0x2f: {  	s10 =	sadd.s32 $0x4000, s10;
	s15 =	simm.s32 @!p0 $0x2  }
0x30: {  	_ =	swait.ge @!p0 [sflag:s15], s14;
	s17 =	ssub.s32 @!p0 $0x0, s14;
	s14 =	smov.u32 s11  }
0x31: {  	s13 =	sadd.s32 $0x1, s13;
	s11 =	smov.u32 s12;
	[sflag:s15] =	ssyncset.done @!p0 $0x0  }
0x32: {  	s12 =	smov.u32 s16;
	[sflag:s15] =	ssyncadd.s32 @!p0 s17;
	s15 =	smov.u32 s2  }
.LBB1_1:
0x33: {  	p0 =	sge.u32 s13, s6  }
0x34: {  	p1 =	sgt.s32 @!p0 s12, $0xC2D0  }
0x35: {  	s16 =	smov.u32 s12;
	s17 =	sshra.s32 @!p0 s12, $0x1F;
	p1 =	por !p1, p0  }
0x36: {  	s17 =	sand.u32 @!p0 s17, s12;
	s16 =	simm.s32 @p1 $0xC2D0  }
0x37: {  	s16 =	ssub.s32 @!p0 s16, s17  }
0x38: {  	s31 =	sadd.s32 $0xFFFFFFFF, s13;
	s18 =	sxor.u32 @!p0 $0xFFFFFFFF, s13;
	s16 =	sadd.s32 @!p0 $0xFFFF3D30, s16  }
0x39: {  	s19 =	simm.s32 @!p0 $0x80;
	s20 =	simm.s32 @!p0 $0x100;
	s17 =	sshll.u32 @!p0 s16, $0x7  }
0x3a: {  	p1 =	sgt.s32 @!p0 s16, $0x7F;
	s16 =	ssub.s32 @!p0 $0x4000, s17;
	s17 =	sshll.u32 @!p0 s18, $0xE  }
0x3b: {  	p1 =	por !p1, p0;
	s18 =	sshll.u32 @!p0 s12, $0x5;
	s16 =	sand.u32 @!p0 $0x3FFFFF80, s16  }
0x3c: {  	s17 =	sand.u32 @!p0 $0x4000, s17;
	s18 =	sadd.s32 @!p0 s18, s7;
	s16 =	simm.s32 @!p1 $0x0  }
0x3d: {  	[tilespmem:s17], [sflag:$0x1] =	stream.strided.gather @!p0 [hbm4b:s18+s19], s16, s20, s19, $0x38;
	[tilespmem:$0x10000] =	vst v63  }
0x3e: {  	p0 =	sge.u32 s31, s6  }
.Ltmp2:
0x3f: {  	_ = 	snop;
	(pc) =	sbr.rel @p0 .LBB1_10-.Ltmp2, $1  }
0x40: {  	_ =	sdelay $0x3  }
0x41: {  	p0 =	sgt.s32 s11, $0xC2D0;
	s16 =	smov.u32 s11;
	s17 =	sshra.s32 s11, $0x1F  }
0x42: {  	s16 =	simm.s32 @!p0 $0xC2D0;
	s17 =	sand.u32 s17, s11  }
0x43: {  	s16 =	ssub.s32 s16, s17  }
0x44: {  	s16 =	sadd.s32 $0xFFFF3D30, s16  }
0x45: {  	s30 =	sshll.u32 s16, $0x7  }
0x46: {  	s17 =	ssub.s32 $0x4000, s30  }
0x47: {  	p0 =	sgt.s32 s16, $0x7F;
	s16 =	sand.u32 $0x3FFFFF80, s17;
	s17 =	sadd.s32 $0x80, s11  }
0x48: {  	s16 =	simm.s32 @p0 $0x0;
	p0 =	slt.s32 s17, $0xC350  }
0x49: {  	s17 =	simm.s32 @!p0 $0xC350  }
0x4a: {  	s20 =	ssub.s32 s17, s11  }
0x4b: {  	p0 =	slt.s32 s20, $0x1  }
.Ltmp3:
0x4c: {  	_ = 	snop;
	(pc) =	sbr.rel @p0 .LBB1_9-.Ltmp3, $4  }
0x4d: {  	_ = 	snop  }
0x4e: {  	s19 =	sshll.u32 s13, $0xE;
	_ =	swait.ge [sflag:s5], s16  }
0x4f: {  	s31 =	sand.u32 $0x4000, s19;
	s18 =	ssub.s32 $0x0, s16;
	[sflag:s5] =	ssyncset.done $0x0  }
0x50: {  	s17 =	sor.u32 $0x8000, s31;
	[sflag:s5] =	ssyncadd.s32 s18  }
0x51: {  	p1 =	sne.s32 s20, $0x1  }
.Ltmp4:
0x52: {  	v0 =	vmov s17;
	(pc) =	sbr.rel @!p1 .LBB1_4-.Ltmp4, $4  }
0x53: {  	_ = 	snop  }
0x54: {  	s18 =	sand.u32 $0x4000, s10  }
0x55: {  	s18 =	sor.u32 $0x40, s18  }
0x56: {  	s19 =	simm.s32 $0x0;
	s21 =	sadd.s32 $0xFFFFFFFF, s20;
	p0 =	por $0x0, $0x0;
	v1 =	vld [tilespmem:s18+$0x30]  }
0x57: {  	v4 =	vld [tilespmem:s18+$0xFFFFFFC0]  }
0x58: {  	v6 =	vld [tilespmem:s18+$0xFFFFFFD0]  }
0x59: {  	v7 =	vld [tilespmem:s18+$0xFFFFFFE0];
	p1 =	sne.s32 s21, $0x1  }
.Ltmp5:
0x5a: {  	v2 =	vld [tilespmem:s18+$0xFFFFFFF0];
	s20 =	sand.u32 $0x3F80, s19;
	(pc) =	sbr.rel @!p1 .LBB1_6-.Ltmp5, $4  }
0x5b: {  	v3 =	vld [tilespmem:s18+$0x0];
	[tilespmem:v0+s20+$0x70 ss:$0x1] =	vst.idx.msk $0xffff, v1  }
0x5c: {  	v5 =	vld [tilespmem:s18+$0x10];
	[tilespmem:v0+s20+$0x0 ss:$0x1] =	vst.idx.msk $0xffff, v4  }
0x5d: {  	v4 =	vld [tilespmem:s18+$0x20];
	[tilespmem:v0+s20+$0x10 ss:$0x1] =	vst.idx.msk $0xffff, v6;
	s18 =	sadd.s32 $0x80, s18  }
0x5e: {  	s22 =	sadd.s32 $0xFFFFFFFF, s21;
	p0 =	por $0x1, $0x1;
	s21 =	simm.s32 $0x0;
	[tilespmem:v0+s20+$0x20 ss:$0x1] =	vst.idx.msk $0xffff, v7;
	v1 =	vld [tilespmem:s18+$0x30]  }
.LBB1_7:
0x5f: {  	p1 =	sne.s32 s22, $0x1;
	v6 =	vld [tilespmem:s18+$0xFFFFFFC0];
	[tilespmem:v0+s20+$0x30 ss:$0x1] =	vst.idx.msk $0xffff, v2  }
0x60: {  	v7 =	vld [tilespmem:s18+$0xFFFFFFD0];
	[tilespmem:v0+s20+$0x40 ss:$0x1] =	vst.idx.msk $0xffff, v3  }
0x61: {  	s21 =	sadd.s32 $0x80, s21;
	v8 =	vld [tilespmem:s18+$0xFFFFFFE0];
	[tilespmem:v0+s20+$0x50 ss:$0x1] =	vst.idx.msk $0xffff, v5  }
.Ltmp6:
0x62: {  	v2 =	vld [tilespmem:s18+$0xFFFFFFF0];
	[tilespmem:v0+s20+$0x60 ss:$0x1] =	vst.idx.msk $0xffff, v4;
	s20 =	sand.u32 $0x3F80, s21;
	(pc) =	sbr.rel @p1 .LBB1_7-.Ltmp6, $4  }
0x63: {  	v3 =	vld [tilespmem:s18+$0x0];
	[tilespmem:v0+s20+$0x70 ss:$0x1] =	vst.idx.msk $0xffff, v1  }
0x64: {  	[tilespmem:v0+s20+$0x0 ss:$0x1] =	vst.idx.msk $0xffff, v6;
	v5 =	vld [tilespmem:s18+$0x10]  }
0x65: {  	[tilespmem:v0+s20+$0x10 ss:$0x1] =	vst.idx.msk $0xffff, v7;
	v4 =	vld [tilespmem:s18+$0x20];
	s18 =	sadd.s32 $0x80, s18  }
0x66: {  	s22 =	sadd.s32 $0xFFFFFFFF, s22;
	v1 =	vld [tilespmem:s18+$0x30];
	[tilespmem:v0+s20+$0x20 ss:$0x1] =	vst.idx.msk $0xffff, v8  }
.Ltmp7:
0x67: {  	_ = 	snop;
	(pc) =	sbr.rel .LBB1_8-.Ltmp7, $1  }
0x68: {  	_ =	sdelay $0x3  }
.LBB1_6:
.Ltmp8:
0x69: {  	(pc) =	sbr.rel .LBB1_8-.Ltmp8, $2  }
0x6a: {  	_ =	sdelay $0x2  }
0x6b: {  	s21 =	simm.s32 $0x0  }
.LBB1_11:
0x6c: {  	_ =	sfence.sel $0x180000  }
0x6d: {  	s2 =	simm.s32 $0x1;
	[bflag:$0x0] =	sbarrier.arrive $0xFFFF  }
0x6e: {  	s31 =	simm.s32 $0x2;
	[sflag:s2] =	ssyncpa.u1 $0x1  }
0x6f: {  	[sflag:s31] =	ssyncpa.u1 $0x1  }
0x70: {  	p0 =	sne.s32 s0, $0x0;
	_ =	strace $0x90000047  }
0x71: {  	s0 =	sadd.s32 @!p0 $0x100000, s1;
	[bflag:$0x2] =	sbarrier.arrive $0xFFFF  }
0x72: {  	[sflag:s0] =	ssyncadd.tile.s32 @!p0 $0x1;
	_ =	shalt  }
.Lfunc_end1:
_tile_overlayer_lowered:
.L_overlay_start_2:
0x73: {  	(tag) =	ssettag $0x2  }
0x74: {  	s0 =	rddreg [dreg:$0x0];
	s2 =	stileid.u32  }
0x75: {  	s1 =	rddreg [dreg:$0x1];
	p0 =	sne.s32 s2, $0x0  }
0x76: {  	s3 =	rddreg [dreg:$0x2];
	[bflag:$0x3] =	sbarrier.arrive $0xFFFF;
	s2 =	simm.s32 @!p0 $0x1C01  }
0x77: {  	[timem:s3], [sflag:s2] =	dma.local @!p0 [hbm:s0], s1  }
0x78: {  	s0 =	simm.s32 @!p0 $0x1  }
0x79: {  	_ =	swait.ge @!p0 [sflag:s0], s1  }
0x7a: {  	s1 =	ssub.s32 @!p0 $0x0, s1;
	[sflag:s0] =	ssyncset.done @!p0 $0x0  }
0x7b: {  	[sflag:s0] =	ssyncadd.s32 @!p0 s1  }
0x7c: {  	[bflag:$0x3] =	sbarrier.arrive $0xFFFF  }
0x7d: {  	_ =	shalt  }

</sc_bundles>
